<compile_context>
chip_gen: v7x
topology: tpu7x:2x2x1
jax: 0.10.2.dev20260603
libtpu: 0.0.44.dev20260713+nightly
codegen_flags: <defaults>
</compile_context>

<pallas_src>
import functools

import jax
import jax.numpy as jnp
from jax import lax
from jax.experimental import pallas as pl
from jax.experimental.pallas import tpu as pltpu
from jax.experimental.pallas import tpu_sc as plsc

D = 128
NW = 32
C = 112
NSUB = 14
CHUNK = NSUB * C
TOT = NW * CHUNK
NBUF = 2


def _sc_gather_sum(n, idx_hbm, m_hbm, p_hbm, out_hbm, idx_v,
                   bm0, bm1, bp0, bp1, row_v, sem0, sem1):
    wid = lax.axis_index("s") * 2 + lax.axis_index("c")
    base = pl.multiple_of(wid * CHUNK, 8)
    tail = n - (NW - 1) * CHUNK
    ntail = CHUNK - tail

    @pl.when(wid < NW - 1)
    def _():
        pltpu.sync_copy(idx_hbm.at[pl.ds(base, CHUNK)], idx_v)

    @pl.when(wid == NW - 1)
    def _():
        zeros = jnp.zeros((16,), jnp.int32)
        for k in range(ntail // 16):
            idx_v[pl.ds(tail + 16 * k, 16)] = zeros
        pltpu.sync_copy(idx_hbm.at[pl.ds(base, tail)], idx_v.at[pl.ds(0, tail)])

    bm, bp, sems = (bm0, bm1), (bp0, bp1), (sem0, sem1)

    def ids_at(j):
        return idx_v.at[pl.ds(pl.multiple_of(j * C, 8), C)]

    def start(j, b):
        ids = ids_at(j)
        pltpu.async_copy(m_hbm.at[ids], bm[b], sems[b])
        pltpu.async_copy(p_hbm.at[ids], bp[b], sems[b])

    def wait(j, b):
        ids = ids_at(j)
        pltpu.make_async_copy(m_hbm.at[ids], bm[b], sems[b]).wait()
        pltpu.make_async_copy(p_hbm.at[ids], bp[b], sems[b]).wait()

    start(0, 0)
    start(1, 1)

    def outer(j2, accs):
        for b in range(NBUF):
            j = 2 * j2 + b
            wait(j, b)

            def body(i, a, _bm=bm[b], _bp=bp[b]):
                new = [a[k] + _bm[i, pl.ds(16 * k, 16)] for k in range(8)]
                new += [a[8 + k] + _bp[i, pl.ds(16 * k, 16)] for k in range(8)]
                return tuple(new)

            accs = lax.fori_loop(0, C, body, accs)

            @pl.when(j + NBUF < NSUB)
            def _():
                start(j + NBUF, b)
        return accs

    accs = tuple(jnp.zeros((16,), jnp.float32) for _ in range(16))
    accs = lax.fori_loop(0, NSUB // NBUF, outer, accs)
    for k in range(16):
        row_v[pl.ds(16 * k, 16)] = accs[k]
    pltpu.sync_copy(row_v, out_hbm.at[wid])


def _gather_sums(idx, m_emb, pre):
    n = idx.shape[0]
    mesh = plsc.VectorSubcoreMesh(core_axis_name="c", subcore_axis_name="s")
    f = pl.kernel(
        functools.partial(_sc_gather_sum, n),
        mesh=mesh,
        out_type=jax.ShapeDtypeStruct((NW, 2 * D), jnp.float32),
        scratch_types=[
            pltpu.VMEM((CHUNK,), jnp.int32),
            pltpu.VMEM((C, D), jnp.float32),
            pltpu.VMEM((C, D), jnp.float32),
            pltpu.VMEM((C, D), jnp.float32),
            pltpu.VMEM((C, D), jnp.float32),
            pltpu.VMEM((2 * D,), jnp.float32),
            pltpu.SemaphoreType.DMA,
            pltpu.SemaphoreType.DMA,
        ],
    )
    return f(idx, m_emb, pre)


def _combine_body(parts_ref, w_ref, bias_ref, m0_ref, p0_ref, out_ref, *, n, pad):
    s = jnp.sum(parts_ref[:, :], axis=0, keepdims=True)
    s_m = s[:, :D] - jnp.float32(pad) * m0_ref[0:1, :]
    s_p = s[:, D:] - jnp.float32(pad) * p0_ref[0:1, :]
    y = lax.dot_general(s_m, w_ref[:, :], (((1,), (1,)), ((), ())),
                        preferred_element_type=jnp.float32)
    out_ref[:, :] = s_p + y + jnp.float32(n) * bias_ref[:, :]


def kernel(medicine_it, m_embeddings, pretrained_model, W, bias):
    n = medicine_it.shape[0]
    pad = TOT - n
    parts = _gather_sums(medicine_it, m_embeddings, pretrained_model)
    out = pl.pallas_call(
        functools.partial(_combine_body, n=n, pad=pad),
        out_shape=jax.ShapeDtypeStruct((1, D), jnp.float32),
        grid=(1,),
        in_specs=[
            pl.BlockSpec((NW, 2 * D), lambda i: (0, 0)),
            pl.BlockSpec((D, D), lambda i: (0, 0)),
            pl.BlockSpec((1, D), lambda i: (0, 0)),
            pl.BlockSpec((8, D), lambda i: (0, 0)),
            pl.BlockSpec((8, D), lambda i: (0, 0)),
        ],
        out_specs=pl.BlockSpec((1, D), lambda i: (0, 0)),
    )(parts, W, bias.reshape(1, D), m_embeddings, pretrained_model)
    return out.reshape(1, 1, D)

# --- scband reference (transcript-rebuilt; emitter-appended) ---
"""Pipeline reference for scband-one-hypergraph-40218073760223 (READ-ONLY COPY).

The authoritative reference and input builder live on the scoring server;
editing this copy changes nothing except your own understanding.
"""

import jax, jax.numpy as jnp
import numpy as np

IN_CH = 128
OUT_CH = 128
VOCAB = 100000
L = 50000


def setup_inputs(seed: int = 0) -> dict:
    key = jax.random.key(seed)
    k1, k2, k3, k4 = jax.random.split(key, 4)
    medicine_it = jax.random.randint(k1, (L,), 0, VOCAB, dtype=jnp.int32)
    m_embeddings = jax.random.normal(k2, (VOCAB, IN_CH), dtype=jnp.float32)
    # pretrained_model stands in for pretrained_model['embeddings.2.weight']
    pretrained_model = jax.random.normal(k3, (VOCAB, OUT_CH), dtype=jnp.float32)
    # HypergraphConv learned params: lin weight [out, in] (glorot-ish) and bias [out]
    W = jax.random.normal(k4, (OUT_CH, IN_CH), dtype=jnp.float32) * (1.0 / np.sqrt(IN_CH))
    bias = jnp.zeros((OUT_CH,), dtype=jnp.float32)
    return {"medicine_it": medicine_it, "m_embeddings": m_embeddings,
            "pretrained_model": pretrained_model, "W": W, "bias": bias}


def reference(medicine_it, m_embeddings, pretrained_model, W, bias):
    n = medicine_it.shape[0]
    # hyperedge_index: row0 = node ids 0..n-1, row1 = all zeros (one hyperedge)
    node_idx = jnp.arange(n, dtype=jnp.int32)
    edge_idx = jnp.zeros((n,), dtype=jnp.int32)
    # gather embeddings for selected medicines
    med_embedding = jnp.take(m_embeddings, medicine_it, axis=0)
    # HypergraphConv (PyG): x = lin(x); D = node degree; B = hyperedge degree
    x = med_embedding @ W.T
    ones = jnp.ones((n,), dtype=x.dtype)
    D = jax.ops.segment_sum(ones, node_idx, num_segments=n)
    D_inv = jnp.where(D > 0, 1.0 / D, 0.0)
    B = jax.ops.segment_sum(ones, edge_idx, num_segments=1)
    B_inv = jnp.where(B > 0, 1.0 / B, 0.0)
    # stage 1: node -> hyperedge aggregation, scaled by B^{-1}
    edge_feat = B_inv[:, None] * jax.ops.segment_sum(x, edge_idx, num_segments=1)
    # stage 2: hyperedge -> node aggregation, scaled by D^{-1}
    node_out = D_inv[:, None] * jax.ops.segment_sum(
        jnp.take(edge_feat, edge_idx, axis=0), node_idx, num_segments=n)
    representation = node_out + bias
    # output(): sum pretrained rows over medicine_it + sum trained representations
    embedding_pretrained = jnp.sum(jnp.take(pretrained_model, medicine_it, axis=0), axis=0, keepdims=True)
    embedding_trained = jnp.sum(representation, axis=0, keepdims=True)
    i1 = embedding_pretrained + embedding_trained
    return i1[None, :, :]  # unsqueeze(0) -> [1, 1, out_channels]

if __name__ == "__main__":
    import jax
    _d = setup_inputs()
    print(jax.jit(kernel)(*tuple(_d.values())))

</pallas_src>

<mosaic_0001>
#map = affine_map<(d0, d1) -> (0)>
#map1 = affine_map<(d0, d1) -> (0, 0)>
module attributes {stable_mosaic.version = 14 : i64} {
  func.func @_sc_gather_sum(%arg0: i32, %arg1: i32, %arg2: memref<50000xi32, #tpu.memory_space<hbm>>, %arg3: memref<100000x128xf32, #tpu.memory_space<hbm>>, %arg4: memref<100000x128xf32, #tpu.memory_space<hbm>>, %arg5: memref<32x256xf32, #tpu.memory_space<hbm>>, %arg6: memref<1568xi32, #tpu.memory_space<vmem>>, %arg7: memref<112x128xf32, #tpu.memory_space<vmem>>, %arg8: memref<112x128xf32, #tpu.memory_space<vmem>>, %arg9: memref<112x128xf32, #tpu.memory_space<vmem>>, %arg10: memref<112x128xf32, #tpu.memory_space<vmem>>, %arg11: memref<256xf32, #tpu.memory_space<vmem>>, %arg12: memref<!tpu.dma_semaphore, #tpu.memory_space<semaphore_mem>>, %arg13: memref<!tpu.dma_semaphore, #tpu.memory_space<semaphore_mem>>) attributes {dimension_semantics = [#tpu.dimension_semantics<core_parallel>, #tpu.dimension_semantics<subcore_parallel>], iteration_bounds = array<i64: 2, 16>, scalar_prefetch = 0 : i64, scratch_operands = 8 : i64, tpu.core_type = #tpu.core_type<sc_vector_subcore>, window_params = [{transform_indices = #map}, {transform_indices = #map1}, {transform_indices = #map1}, {transform_indices = #map1}]} {
    %mul3A = arith.constant 2 : i32
    %mul3A_0 = arith.muli %arg1, %mul3A : i32
    %add3A = arith.addi %mul3A_0, %arg0 : i32
    %mul3A_1 = arith.constant 1568 : i32
    %mul3A_2 = arith.muli %add3A, %mul3A_1 : i32
    %multiple_of3A = tpu.assume_multiple %mul3A_2, 8 : i32
    %lt3A = arith.constant 31 : i32
    %lt3A_3 = arith.cmpi slt, %add3A, %lt3A : i32
    %convert_element_type3A = arith.extui %lt3A_3 : i1 to i32
    %cond3A = arith.constant 0 : i32
    %cond3A_4 = arith.cmpi ne, %convert_element_type3A, %cond3A : i32
    scf.if %cond3A_4 {
      "tpu.region"() ({
        %run_scoped3A = tpu.sem_alloc : memref<!tpu.dma_semaphore, #tpu.memory_space<semaphore_mem>>
        %dma_start3A_127 = tpu.memref_slice %arg2[%multiple_of3A] : memref<50000xi32, #tpu.memory_space<hbm>> -> memref<1568xi32, #tpu.memory_space<hbm>>
        %dma_start3A_128 = tpu.memref_slice %arg2[%multiple_of3A] : memref<50000xi32, #tpu.memory_space<hbm>> -> memref<1568xi32, #tpu.memory_space<hbm>>
        tpu.enqueue_dma source(%dma_start3A_128 : memref<1568xi32, #tpu.memory_space<hbm>>) target(%arg6 : memref<1568xi32, #tpu.memory_space<vmem>>) target_semaphore(%run_scoped3A : memref<!tpu.dma_semaphore, #tpu.memory_space<semaphore_mem>>)
        %dma_wait3A = tpu.memref_slice %arg2[%multiple_of3A] : memref<50000xi32, #tpu.memory_space<hbm>> -> memref<1568xi32, #tpu.memory_space<hbm>>
        %dma_wait3A_129 = tpu.memref_slice %arg2[%multiple_of3A] : memref<50000xi32, #tpu.memory_space<hbm>> -> memref<1568xi32, #tpu.memory_space<hbm>>
        tpu.wait_dma2 semaphore(%run_scoped3A : memref<!tpu.dma_semaphore, #tpu.memory_space<semaphore_mem>>) src(%dma_wait3A_129 : memref<1568xi32, #tpu.memory_space<hbm>>) dst(%arg6 : memref<1568xi32, #tpu.memory_space<vmem>>)
        tpu.yield
      }) : () -> ()
    } else {
    }
    %eq3A = arith.constant 31 : i32
    %eq3A_5 = arith.cmpi eq, %add3A, %eq3A : i32
    %convert_element_type3A_6 = arith.extui %eq3A_5 : i1 to i32
    %cond3A_7 = arith.constant 0 : i32
    %cond3A_8 = arith.cmpi ne, %convert_element_type3A_6, %cond3A_7 : i32
    scf.if %cond3A_8 {
      %broadcast_in_dim3A_127 = arith.constant 0 : i32
      %broadcast_in_dim3A_128 = vector.broadcast %broadcast_in_dim3A_127 : i32 to vector<16xi32>
      %swap3A_129 = arith.constant 1392 : index
      %swap3A_130 = tpu.vector_load %arg6[%swap3A_129] {strides = array<i32>} : memref<1568xi32, #tpu.memory_space<vmem>>, vector<16xi32>,
      %swap3A_131 = vector.shape_cast %swap3A_130 : vector<16xi32> to vector<16xi32>
      %swap3A_132 = vector.shape_cast %broadcast_in_dim3A_128 : vector<16xi32> to vector<16xi32>
      tpu.vector_store %arg6[%swap3A_129], %swap3A_132 {strides = array<i32>} : memref<1568xi32, #tpu.memory_space<vmem>>, vector<16xi32>,
      %swap3A_133 = arith.constant 1408 : index
      %swap3A_134 = tpu.vector_load %arg6[%swap3A_133] {strides = array<i32>} : memref<1568xi32, #tpu.memory_space<vmem>>, vector<16xi32>,
      %swap3A_135 = vector.shape_cast %swap3A_134 : vector<16xi32> to vector<16xi32>
      %swap3A_136 = vector.shape_cast %broadcast_in_dim3A_128 : vector<16xi32> to vector<16xi32>
      tpu.vector_store %arg6[%swap3A_133], %swap3A_136 {strides = array<i32>} : memref<1568xi32, #tpu.memory_space<vmem>>, vector<16xi32>,
      %swap3A_137 = arith.constant 1424 : index
      %swap3A_138 = tpu.vector_load %arg6[%swap3A_137] {strides = array<i32>} : memref<1568xi32, #tpu.memory_space<vmem>>, vector<16xi32>,
      %swap3A_139 = vector.shape_cast %swap3A_138 : vector<16xi32> to vector<16xi32>
      %swap3A_140 = vector.shape_cast %broadcast_in_dim3A_128 : vector<16xi32> to vector<16xi32>
      tpu.vector_store %arg6[%swap3A_137], %swap3A_140 {strides = array<i32>} : memref<1568xi32, #tpu.memory_space<vmem>>, vector<16xi32>,
      %swap3A_141 = arith.constant 1440 : index
      %swap3A_142 = tpu.vector_load %arg6[%swap3A_141] {strides = array<i32>} : memref<1568xi32, #tpu.memory_space<vmem>>, vector<16xi32>,
      %swap3A_143 = vector.shape_cast %swap3A_142 : vector<16xi32> to vector<16xi32>
      %swap3A_144 = vector.shape_cast %broadcast_in_dim3A_128 : vector<16xi32> to vector<16xi32>
      tpu.vector_store %arg6[%swap3A_141], %swap3A_144 {strides = array<i32>} : memref<1568xi32, #tpu.memory_space<vmem>>, vector<16xi32>,
      %swap3A_145 = arith.constant 1456 : index
      %swap3A_146 = tpu.vector_load %arg6[%swap3A_145] {strides = array<i32>} : memref<1568xi32, #tpu.memory_space<vmem>>, vector<16xi32>,
      %swap3A_147 = vector.shape_cast %swap3A_146 : vector<16xi32> to vector<16xi32>
      %swap3A_148 = vector.shape_cast %broadcast_in_dim3A_128 : vector<16xi32> to vector<16xi32>
      tpu.vector_store %arg6[%swap3A_145], %swap3A_148 {strides = array<i32>} : memref<1568xi32, #tpu.memory_space<vmem>>, vector<16xi32>,
      %swap3A_149 = arith.constant 1472 : index
      %swap3A_150 = tpu.vector_load %arg6[%swap3A_149] {strides = array<i32>} : memref<1568xi32, #tpu.memory_space<vmem>>, vector<16xi32>,
      %swap3A_151 = vector.shape_cast %swap3A_150 : vector<16xi32> to vector<16xi32>
      %swap3A_152 = vector.shape_cast %broadcast_in_dim3A_128 : vector<16xi32> to vector<16xi32>
      tpu.vector_store %arg6[%swap3A_149], %swap3A_152 {strides = array<i32>} : memref<1568xi32, #tpu.memory_space<vmem>>, vector<16xi32>,
      %swap3A_153 = arith.constant 1488 : index
      %swap3A_154 = tpu.vector_load %arg6[%swap3A_153] {strides = array<i32>} : memref<1568xi32, #tpu.memory_space<vmem>>, vector<16xi32>,
      %swap3A_155 = vector.shape_cast %swap3A_154 : vector<16xi32> to vector<16xi32>
      %swap3A_156 = vector.shape_cast %broadcast_in_dim3A_128 : vector<16xi32> to vector<16xi32>
      tpu.vector_store %arg6[%swap3A_153], %swap3A_156 {strides = array<i32>} : memref<1568xi32, #tpu.memory_space<vmem>>, vector<16xi32>,
      %swap3A_157 = arith.constant 1504 : index
      %swap3A_158 = tpu.vector_load %arg6[%swap3A_157] {strides = array<i32>} : memref<1568xi32, #tpu.memory_space<vmem>>, vector<16xi32>,
      %swap3A_159 = vector.shape_cast %swap3A_158 : vector<16xi32> to vector<16xi32>
      %swap3A_160 = vector.shape_cast %broadcast_in_dim3A_128 : vector<16xi32> to vector<16xi32>
      tpu.vector_store %arg6[%swap3A_157], %swap3A_160 {strides = array<i32>} : memref<1568xi32, #tpu.memory_space<vmem>>, vector<16xi32>,
      %swap3A_161 = arith.constant 1520 : index
      %swap3A_162 = tpu.vector_load %arg6[%swap3A_161] {strides = array<i32>} : memref<1568xi32, #tpu.memory_space<vmem>>, vector<16xi32>,
      %swap3A_163 = vector.shape_cast %swap3A_162 : vector<16xi32> to vector<16xi32>
      %swap3A_164 = vector.shape_cast %broadcast_in_dim3A_128 : vector<16xi32> to vector<16xi32>
      tpu.vector_store %arg6[%swap3A_161], %swap3A_164 {strides = array<i32>} : memref<1568xi32, #tpu.memory_space<vmem>>, vector<16xi32>,
      %swap3A_165 = arith.constant 1536 : index
      %swap3A_166 = tpu.vector_load %arg6[%swap3A_165] {strides = array<i32>} : memref<1568xi32, #tpu.memory_space<vmem>>, vector<16xi32>,
      %swap3A_167 = vector.shape_cast %swap3A_166 : vector<16xi32> to vector<16xi32>
      %swap3A_168 = vector.shape_cast %broadcast_in_dim3A_128 : vector<16xi32> to vector<16xi32>
      tpu.vector_store %arg6[%swap3A_165], %swap3A_168 {strides = array<i32>} : memref<1568xi32, #tpu.memory_space<vmem>>, vector<16xi32>,
      %swap3A_169 = arith.constant 1552 : index
      %swap3A_170 = tpu.vector_load %arg6[%swap3A_169] {strides = array<i32>} : memref<1568xi32, #tpu.memory_space<vmem>>, vector<16xi32>,
      %swap3A_171 = vector.shape_cast %swap3A_170 : vector<16xi32> to vector<16xi32>
      %swap3A_172 = vector.shape_cast %broadcast_in_dim3A_128 : vector<16xi32> to vector<16xi32>
      tpu.vector_store %arg6[%swap3A_169], %swap3A_172 {strides = array<i32>} : memref<1568xi32, #tpu.memory_space<vmem>>, vector<16xi32>,
      "tpu.region"() ({
        %run_scoped3A = tpu.sem_alloc : memref<!tpu.dma_semaphore, #tpu.memory_space<semaphore_mem>>
        %dma_start3A_173 = arith.constant 0 : i32
        %dma_start3A_174 = tpu.memref_slice %arg6[%dma_start3A_173] : memref<1568xi32, #tpu.memory_space<vmem>> -> memref<1392xi32, #tpu.memory_space<vmem>>
        %dma_start3A_175 = tpu.memref_slice %arg2[%multiple_of3A] : memref<50000xi32, #tpu.memory_space<hbm>> -> memref<1392xi32, #tpu.memory_space<hbm>>
        %dma_start3A_176 = arith.constant 0 : i32
        %dma_start3A_177 = tpu.memref_slice %arg6[%dma_start3A_176] : memref<1568xi32, #tpu.memory_space<vmem>> -> memref<1392xi32, #tpu.memory_space<vmem>>
        %dma_start3A_178 = tpu.memref_slice %arg2[%multiple_of3A] : memref<50000xi32, #tpu.memory_space<hbm>> -> memref<1392xi32, #tpu.memory_space<hbm>>
        tpu.enqueue_dma source(%dma_start3A_178 : memref<1392xi32, #tpu.memory_space<hbm>>) target(%dma_start3A_177 : memref<1392xi32, #tpu.memory_space<vmem>>) target_semaphore(%run_scoped3A : memref<!tpu.dma_semaphore, #tpu.memory_space<semaphore_mem>>)
        %dma_wait3A = arith.constant 0 : i32
        %dma_wait3A_179 = tpu.memref_slice %arg6[%dma_wait3A] : memref<1568xi32, #tpu.memory_space<vmem>> -> memref<1392xi32, #tpu.memory_space<vmem>>
        %dma_wait3A_180 = tpu.memref_slice %arg2[%multiple_of3A] : memref<50000xi32, #tpu.memory_space<hbm>> -> memref<1392xi32, #tpu.memory_space<hbm>>
        %dma_wait3A_181 = arith.constant 0 : i32
        %dma_wait3A_182 = tpu.memref_slice %arg6[%dma_wait3A_181] : memref<1568xi32, #tpu.memory_space<vmem>> -> memref<1392xi32, #tpu.memory_space<vmem>>
        %dma_wait3A_183 = tpu.memref_slice %arg2[%multiple_of3A] : memref<50000xi32, #tpu.memory_space<hbm>> -> memref<1392xi32, #tpu.memory_space<hbm>>
        tpu.wait_dma2 semaphore(%run_scoped3A : memref<!tpu.dma_semaphore, #tpu.memory_space<semaphore_mem>>) src(%dma_wait3A_183 : memref<1392xi32, #tpu.memory_space<hbm>>) dst(%dma_wait3A_182 : memref<1392xi32, #tpu.memory_space<vmem>>)
        tpu.yield
      }) : () -> ()
    } else {
    }
    %multiple_of3A_9 = arith.constant 0 : i32
    %multiple_of3A_10 = tpu.assume_multiple %multiple_of3A_9, 8 : i32
    %dma_start3A = tpu.memref_slice %arg6[%multiple_of3A_10] : memref<1568xi32, #tpu.memory_space<vmem>> -> memref<112xi32, #tpu.memory_space<vmem>>
    %dma_start3A_11 = arith.constant 0 : i32
    %dma_start3A_12 = arith.constant 0 : i32
    %dma_start3A_13 = tpu.memref_slice %arg3[%dma_start3A_11, %dma_start3A_12] : memref<100000x128xf32, #tpu.memory_space<hbm>> -> memref<100000x128xf32, #tpu.memory_space<hbm>>
    tpu.enqueue_indirect_dma source(%dma_start3A_13 : memref<100000x128xf32, #tpu.memory_space<hbm>>) target(%arg7 : memref<112x128xf32, #tpu.memory_space<vmem>>) offsets(%dma_start3A : memref<112xi32, #tpu.memory_space<vmem>>) semaphore(%arg12 : memref<!tpu.dma_semaphore, #tpu.memory_space<semaphore_mem>>)
    %dma_start3A_14 = tpu.memref_slice %arg6[%multiple_of3A_10] : memref<1568xi32, #tpu.memory_space<vmem>> -> memref<112xi32, #tpu.memory_space<vmem>>
    %dma_start3A_15 = arith.constant 0 : i32
    %dma_start3A_16 = arith.constant 0 : i32
    %dma_start3A_17 = tpu.memref_slice %arg4[%dma_start3A_15, %dma_start3A_16] : memref<100000x128xf32, #tpu.memory_space<hbm>> -> memref<100000x128xf32, #tpu.memory_space<hbm>>
    tpu.enqueue_indirect_dma source(%dma_start3A_17 : memref<100000x128xf32, #tpu.memory_space<hbm>>) target(%arg9 : memref<112x128xf32, #tpu.memory_space<vmem>>) offsets(%dma_start3A_14 : memref<112xi32, #tpu.memory_space<vmem>>) semaphore(%arg12 : memref<!tpu.dma_semaphore, #tpu.memory_space<semaphore_mem>>)
    %multiple_of3A_18 = arith.constant 112 : i32
    %multiple_of3A_19 = tpu.assume_multiple %multiple_of3A_18, 8 : i32
    %dma_start3A_20 = tpu.memref_slice %arg6[%multiple_of3A_19] : memref<1568xi32, #tpu.memory_space<vmem>> -> memref<112xi32, #tpu.memory_space<vmem>>
    %dma_start3A_21 = arith.constant 0 : i32
    %dma_start3A_22 = arith.constant 0 : i32
    %dma_start3A_23 = tpu.memref_slice %arg3[%dma_start3A_21, %dma_start3A_22] : memref<100000x128xf32, #tpu.memory_space<hbm>> -> memref<100000x128xf32, #tpu.memory_space<hbm>>
    tpu.enqueue_indirect_dma source(%dma_start3A_23 : memref<100000x128xf32, #tpu.memory_space<hbm>>) target(%arg8 : memref<112x128xf32, #tpu.memory_space<vmem>>) offsets(%dma_start3A_20 : memref<112xi32, #tpu.memory_space<vmem>>) semaphore(%arg13 : memref<!tpu.dma_semaphore, #tpu.memory_space<semaphore_mem>>)
    %dma_start3A_24 = tpu.memref_slice %arg6[%multiple_of3A_19] : memref<1568xi32, #tpu.memory_space<vmem>> -> memref<112xi32, #tpu.memory_space<vmem>>
    %dma_start3A_25 = arith.constant 0 : i32
    %dma_start3A_26 = arith.constant 0 : i32
    %dma_start3A_27 = tpu.memref_slice %arg4[%dma_start3A_25, %dma_start3A_26] : memref<100000x128xf32, #tpu.memory_space<hbm>> -> memref<100000x128xf32, #tpu.memory_space<hbm>>
    tpu.enqueue_indirect_dma source(%dma_start3A_27 : memref<100000x128xf32, #tpu.memory_space<hbm>>) target(%arg10 : memref<112x128xf32, #tpu.memory_space<vmem>>) offsets(%dma_start3A_24 : memref<112xi32, #tpu.memory_space<vmem>>) semaphore(%arg13 : memref<!tpu.dma_semaphore, #tpu.memory_space<semaphore_mem>>)
    %broadcast_in_dim3A = arith.constant 0.000000e+00 : f32
    %broadcast_in_dim3A_28 = vector.broadcast %broadcast_in_dim3A : f32 to vector<16xf32>
    %broadcast_in_dim3A_29 = arith.constant 0.000000e+00 : f32
    %broadcast_in_dim3A_30 = vector.broadcast %broadcast_in_dim3A_29 : f32 to vector<16xf32>
    %broadcast_in_dim3A_31 = arith.constant 0.000000e+00 : f32
    %broadcast_in_dim3A_32 = vector.broadcast %broadcast_in_dim3A_31 : f32 to vector<16xf32>
    %broadcast_in_dim3A_33 = arith.constant 0.000000e+00 : f32
    %broadcast_in_dim3A_34 = vector.broadcast %broadcast_in_dim3A_33 : f32 to vector<16xf32>
    %broadcast_in_dim3A_35 = arith.constant 0.000000e+00 : f32
    %broadcast_in_dim3A_36 = vector.broadcast %broadcast_in_dim3A_35 : f32 to vector<16xf32>
    %broadcast_in_dim3A_37 = arith.constant 0.000000e+00 : f32
    %broadcast_in_dim3A_38 = vector.broadcast %broadcast_in_dim3A_37 : f32 to vector<16xf32>
    %broadcast_in_dim3A_39 = arith.constant 0.000000e+00 : f32
    %broadcast_in_dim3A_40 = vector.broadcast %broadcast_in_dim3A_39 : f32 to vector<16xf32>
    %broadcast_in_dim3A_41 = arith.constant 0.000000e+00 : f32
    %broadcast_in_dim3A_42 = vector.broadcast %broadcast_in_dim3A_41 : f32 to vector<16xf32>
    %broadcast_in_dim3A_43 = arith.constant 0.000000e+00 : f32
    %broadcast_in_dim3A_44 = vector.broadcast %broadcast_in_dim3A_43 : f32 to vector<16xf32>
    %broadcast_in_dim3A_45 = arith.constant 0.000000e+00 : f32
    %broadcast_in_dim3A_46 = vector.broadcast %broadcast_in_dim3A_45 : f32 to vector<16xf32>
    %broadcast_in_dim3A_47 = arith.constant 0.000000e+00 : f32
    %broadcast_in_dim3A_48 = vector.broadcast %broadcast_in_dim3A_47 : f32 to vector<16xf32>
    %broadcast_in_dim3A_49 = arith.constant 0.000000e+00 : f32
    %broadcast_in_dim3A_50 = vector.broadcast %broadcast_in_dim3A_49 : f32 to vector<16xf32>
    %broadcast_in_dim3A_51 = arith.constant 0.000000e+00 : f32
    %broadcast_in_dim3A_52 = vector.broadcast %broadcast_in_dim3A_51 : f32 to vector<16xf32>
    %broadcast_in_dim3A_53 = arith.constant 0.000000e+00 : f32
    %broadcast_in_dim3A_54 = vector.broadcast %broadcast_in_dim3A_53 : f32 to vector<16xf32>
    %broadcast_in_dim3A_55 = arith.constant 0.000000e+00 : f32
    %broadcast_in_dim3A_56 = vector.broadcast %broadcast_in_dim3A_55 : f32 to vector<16xf32>
    %broadcast_in_dim3A_57 = arith.constant 0.000000e+00 : f32
    %broadcast_in_dim3A_58 = vector.broadcast %broadcast_in_dim3A_57 : f32 to vector<16xf32>
    %scan3A = arith.constant 0 : i32
    %scan3A_59 = arith.constant 7 : i32
    %scan3A_60 = arith.addi %scan3A, %scan3A_59 : i32
    %scan3A_61 = arith.constant 1 : i32
    %scan3A_62:16 = scf.for %scan3A_127 = %scan3A to %scan3A_60 step %scan3A_61 iter_args(%scan3A_128 = %broadcast_in_dim3A_28, %scan3A_129 = %broadcast_in_dim3A_30, %scan3A_130 = %broadcast_in_dim3A_32, %scan3A_131 = %broadcast_in_dim3A_34, %scan3A_132 = %broadcast_in_dim3A_36, %scan3A_133 = %broadcast_in_dim3A_38, %scan3A_134 = %broadcast_in_dim3A_40, %scan3A_135 = %broadcast_in_dim3A_42, %scan3A_136 = %broadcast_in_dim3A_44, %scan3A_137 = %broadcast_in_dim3A_46, %scan3A_138 = %broadcast_in_dim3A_48, %scan3A_139 = %broadcast_in_dim3A_50, %scan3A_140 = %broadcast_in_dim3A_52, %scan3A_141 = %broadcast_in_dim3A_54, %scan3A_142 = %broadcast_in_dim3A_56, %scan3A_143 = %broadcast_in_dim3A_58) -> (vector<16xf32>, vector<16xf32>, vector<16xf32>, vector<16xf32>, vector<16xf32>, vector<16xf32>, vector<16xf32>, vector<16xf32>, vector<16xf32>, vector<16xf32>, vector<16xf32>, vector<16xf32>, vector<16xf32>, vector<16xf32>, vector<16xf32>, vector<16xf32>)  : i32 {
      %mul3A_144 = arith.constant 2 : i32
      %mul3A_145 = arith.muli %mul3A_144, %scan3A_127 : i32
      %add3A_146 = arith.constant 0 : i32
      %add3A_147 = arith.addi %mul3A_145, %add3A_146 : i32
      %mul3A_148 = arith.constant 112 : i32
      %mul3A_149 = arith.muli %add3A_147, %mul3A_148 : i32
      %multiple_of3A_150 = tpu.assume_multiple %mul3A_149, 8 : i32
      %dma_wait3A = tpu.memref_slice %arg6[%multiple_of3A_150] : memref<1568xi32, #tpu.memory_space<vmem>> -> memref<112xi32, #tpu.memory_space<vmem>>
      %dma_wait3A_151 = arith.constant 0 : i32
      %dma_wait3A_152 = arith.constant 0 : i32
      %dma_wait3A_153 = tpu.memref_slice %arg3[%dma_wait3A_151, %dma_wait3A_152] : memref<100000x128xf32, #tpu.memory_space<hbm>> -> memref<100000x128xf32, #tpu.memory_space<hbm>>
      tpu.wait_indirect_dma semaphore(%arg12 : memref<!tpu.dma_semaphore, #tpu.memory_space<semaphore_mem>>) src(%dma_wait3A_153 : memref<100000x128xf32, #tpu.memory_space<hbm>>) dst(%arg7 : memref<112x128xf32, #tpu.memory_space<vmem>>)
      %dma_wait3A_154 = tpu.memref_slice %arg6[%multiple_of3A_150] : memref<1568xi32, #tpu.memory_space<vmem>> -> memref<112xi32, #tpu.memory_space<vmem>>
      %dma_wait3A_155 = arith.constant 0 : i32
      %dma_wait3A_156 = arith.constant 0 : i32
      %dma_wait3A_157 = tpu.memref_slice %arg4[%dma_wait3A_155, %dma_wait3A_156] : memref<100000x128xf32, #tpu.memory_space<hbm>> -> memref<100000x128xf32, #tpu.memory_space<hbm>>
      tpu.wait_indirect_dma semaphore(%arg12 : memref<!tpu.dma_semaphore, #tpu.memory_space<semaphore_mem>>) src(%dma_wait3A_157 : memref<100000x128xf32, #tpu.memory_space<hbm>>) dst(%arg9 : memref<112x128xf32, #tpu.memory_space<vmem>>)
      %scan3A_158 = arith.constant 0 : i32
      %scan3A_159 = arith.constant 112 : i32
      %scan3A_160 = arith.addi %scan3A_158, %scan3A_159 : i32
      %scan3A_161 = arith.constant 1 : i32
      %scan3A_162:16 = scf.for %scan3A_199 = %scan3A_158 to %scan3A_160 step %scan3A_161 iter_args(%scan3A_200 = %scan3A_128, %scan3A_201 = %scan3A_129, %scan3A_202 = %scan3A_130, %scan3A_203 = %scan3A_131, %scan3A_204 = %scan3A_132, %scan3A_205 = %scan3A_133, %scan3A_206 = %scan3A_134, %scan3A_207 = %scan3A_135, %scan3A_208 = %scan3A_136, %scan3A_209 = %scan3A_137, %scan3A_210 = %scan3A_138, %scan3A_211 = %scan3A_139, %scan3A_212 = %scan3A_140, %scan3A_213 = %scan3A_141, %scan3A_214 = %scan3A_142, %scan3A_215 = %scan3A_143) -> (vector<16xf32>, vector<16xf32>, vector<16xf32>, vector<16xf32>, vector<16xf32>, vector<16xf32>, vector<16xf32>, vector<16xf32>, vector<16xf32>, vector<16xf32>, vector<16xf32>, vector<16xf32>, vector<16xf32>, vector<16xf32>, vector<16xf32>, vector<16xf32>)  : i32 {
        %get3A = arith.index_cast %scan3A_199 : i32 to index
        %get3A_216 = arith.constant 0 : index
        %get3A_217 = tpu.vector_load %arg7[%get3A, %get3A_216] {strides = array<i32>} : memref<112x128xf32, #tpu.memory_space<vmem>>, vector<1x16xf32>,
        %get3A_218 = vector.shape_cast %get3A_217 : vector<1x16xf32> to vector<16xf32>
        %add3A_219 = arith.addf %scan3A_200, %get3A_218 : vector<16xf32>
        %get3A_220 = arith.index_cast %scan3A_199 : i32 to index
        %get3A_221 = arith.constant 16 : index
        %get3A_222 = tpu.vector_load %arg7[%get3A_220, %get3A_221] {strides = array<i32>} : memref<112x128xf32, #tpu.memory_space<vmem>>, vector<1x16xf32>,
        %get3A_223 = vector.shape_cast %get3A_222 : vector<1x16xf32> to vector<16xf32>
        %add3A_224 = arith.addf %scan3A_201, %get3A_223 : vector<16xf32>
        %get3A_225 = arith.index_cast %scan3A_199 : i32 to index
        %get3A_226 = arith.constant 32 : index
        %get3A_227 = tpu.vector_load %arg7[%get3A_225, %get3A_226] {strides = array<i32>} : memref<112x128xf32, #tpu.memory_space<vmem>>, vector<1x16xf32>,
        %get3A_228 = vector.shape_cast %get3A_227 : vector<1x16xf32> to vector<16xf32>
        %add3A_229 = arith.addf %scan3A_202, %get3A_228 : vector<16xf32>
        %get3A_230 = arith.index_cast %scan3A_199 : i32 to index
        %get3A_231 = arith.constant 48 : index
        %get3A_232 = tpu.vector_load %arg7[%get3A_230, %get3A_231] {strides = array<i32>} : memref<112x128xf32, #tpu.memory_space<vmem>>, vector<1x16xf32>,
        %get3A_233 = vector.shape_cast %get3A_232 : vector<1x16xf32> to vector<16xf32>
        %add3A_234 = arith.addf %scan3A_203, %get3A_233 : vector<16xf32>
        %get3A_235 = arith.index_cast %scan3A_199 : i32 to index
        %get3A_236 = arith.constant 64 : index
        %get3A_237 = tpu.vector_load %arg7[%get3A_235, %get3A_236] {strides = array<i32>} : memref<112x128xf32, #tpu.memory_space<vmem>>, vector<1x16xf32>,
        %get3A_238 = vector.shape_cast %get3A_237 : vector<1x16xf32> to vector<16xf32>
        %add3A_239 = arith.addf %scan3A_204, %get3A_238 : vector<16xf32>
        %get3A_240 = arith.index_cast %scan3A_199 : i32 to index
        %get3A_241 = arith.constant 80 : index
        %get3A_242 = tpu.vector_load %arg7[%get3A_240, %get3A_241] {strides = array<i32>} : memref<112x128xf32, #tpu.memory_space<vmem>>, vector<1x16xf32>,
        %get3A_243 = vector.shape_cast %get3A_242 : vector<1x16xf32> to vector<16xf32>
        %add3A_244 = arith.addf %scan3A_205, %get3A_243 : vector<16xf32>
        %get3A_245 = arith.index_cast %scan3A_199 : i32 to index
        %get3A_246 = arith.constant 96 : index
        %get3A_247 = tpu.vector_load %arg7[%get3A_245, %get3A_246] {strides = array<i32>} : memref<112x128xf32, #tpu.memory_space<vmem>>, vector<1x16xf32>,
        %get3A_248 = vector.shape_cast %get3A_247 : vector<1x16xf32> to vector<16xf32>
        %add3A_249 = arith.addf %scan3A_206, %get3A_248 : vector<16xf32>
        %get3A_250 = arith.index_cast %scan3A_199 : i32 to index
        %get3A_251 = arith.constant 112 : index
        %get3A_252 = tpu.vector_load %arg7[%get3A_250, %get3A_251] {strides = array<i32>} : memref<112x128xf32, #tpu.memory_space<vmem>>, vector<1x16xf32>,
        %get3A_253 = vector.shape_cast %get3A_252 : vector<1x16xf32> to vector<16xf32>
        %add3A_254 = arith.addf %scan3A_207, %get3A_253 : vector<16xf32>
        %get3A_255 = arith.index_cast %scan3A_199 : i32 to index
        %get3A_256 = arith.constant 0 : index
        %get3A_257 = tpu.vector_load %arg9[%get3A_255, %get3A_256] {strides = array<i32>} : memref<112x128xf32, #tpu.memory_space<vmem>>, vector<1x16xf32>,
        %get3A_258 = vector.shape_cast %get3A_257 : vector<1x16xf32> to vector<16xf32>
        %add3A_259 = arith.addf %scan3A_208, %get3A_258 : vector<16xf32>
        %get3A_260 = arith.index_cast %scan3A_199 : i32 to index
        %get3A_261 = arith.constant 16 : index
        %get3A_262 = tpu.vector_load %arg9[%get3A_260, %get3A_261] {strides = array<i32>} : memref<112x128xf32, #tpu.memory_space<vmem>>, vector<1x16xf32>,
        %get3A_263 = vector.shape_cast %get3A_262 : vector<1x16xf32> to vector<16xf32>
        %add3A_264 = arith.addf %scan3A_209, %get3A_263 : vector<16xf32>
        %get3A_265 = arith.index_cast %scan3A_199 : i32 to index
        %get3A_266 = arith.constant 32 : index
        %get3A_267 = tpu.vector_load %arg9[%get3A_265, %get3A_266] {strides = array<i32>} : memref<112x128xf32, #tpu.memory_space<vmem>>, vector<1x16xf32>,
        %get3A_268 = vector.shape_cast %get3A_267 : vector<1x16xf32> to vector<16xf32>
        %add3A_269 = arith.addf %scan3A_210, %get3A_268 : vector<16xf32>
        %get3A_270 = arith.index_cast %scan3A_199 : i32 to index
        %get3A_271 = arith.constant 48 : index
        %get3A_272 = tpu.vector_load %arg9[%get3A_270, %get3A_271] {strides = array<i32>} : memref<112x128xf32, #tpu.memory_space<vmem>>, vector<1x16xf32>,
        %get3A_273 = vector.shape_cast %get3A_272 : vector<1x16xf32> to vector<16xf32>
        %add3A_274 = arith.addf %scan3A_211, %get3A_273 : vector<16xf32>
        %get3A_275 = arith.index_cast %scan3A_199 : i32 to index
        %get3A_276 = arith.constant 64 : index
        %get3A_277 = tpu.vector_load %arg9[%get3A_275, %get3A_276] {strides = array<i32>} : memref<112x128xf32, #tpu.memory_space<vmem>>, vector<1x16xf32>,
        %get3A_278 = vector.shape_cast %get3A_277 : vector<1x16xf32> to vector<16xf32>
        %add3A_279 = arith.addf %scan3A_212, %get3A_278 : vector<16xf32>
        %get3A_280 = arith.index_cast %scan3A_199 : i32 to index
        %get3A_281 = arith.constant 80 : index
        %get3A_282 = tpu.vector_load %arg9[%get3A_280, %get3A_281] {strides = array<i32>} : memref<112x128xf32, #tpu.memory_space<vmem>>, vector<1x16xf32>,
        %get3A_283 = vector.shape_cast %get3A_282 : vector<1x16xf32> to vector<16xf32>
        %add3A_284 = arith.addf %scan3A_213, %get3A_283 : vector<16xf32>
        %get3A_285 = arith.index_cast %scan3A_199 : i32 to index
        %get3A_286 = arith.constant 96 : index
        %get3A_287 = tpu.vector_load %arg9[%get3A_285, %get3A_286] {strides = array<i32>} : memref<112x128xf32, #tpu.memory_space<vmem>>, vector<1x16xf32>,
        %get3A_288 = vector.shape_cast %get3A_287 : vector<1x16xf32> to vector<16xf32>
        %add3A_289 = arith.addf %scan3A_214, %get3A_288 : vector<16xf32>
        %get3A_290 = arith.index_cast %scan3A_199 : i32 to index
        %get3A_291 = arith.constant 112 : index
        %get3A_292 = tpu.vector_load %arg9[%get3A_290, %get3A_291] {strides = array<i32>} : memref<112x128xf32, #tpu.memory_space<vmem>>, vector<1x16xf32>,
        %get3A_293 = vector.shape_cast %get3A_292 : vector<1x16xf32> to vector<16xf32>
        %add3A_294 = arith.addf %scan3A_215, %get3A_293 : vector<16xf32>
        scf.yield %add3A_219, %add3A_224, %add3A_229, %add3A_234, %add3A_239, %add3A_244, %add3A_249, %add3A_254, %add3A_259, %add3A_264, %add3A_269, %add3A_274, %add3A_279, %add3A_284, %add3A_289, %add3A_294 : vector<16xf32>, vector<16xf32>, vector<16xf32>, vector<16xf32>, vector<16xf32>, vector<16xf32>, vector<16xf32>, vector<16xf32>, vector<16xf32>, vector<16xf32>, vector<16xf32>, vector<16xf32>, vector<16xf32>, vector<16xf32>, vector<16xf32>, vector<16xf32>
      }
      %scan3A_163 = arith.constant 112 : i32
      %add3A_164 = arith.constant 2 : i32
      %add3A_165 = arith.addi %add3A_147, %add3A_164 : i32
      %lt3A_166 = arith.constant 14 : i32
      %lt3A_167 = arith.cmpi slt, %add3A_165, %lt3A_166 : i32
      %convert_element_type3A_168 = arith.extui %lt3A_167 : i1 to i32
      %cond3A_169 = arith.constant 0 : i32
      %cond3A_170 = arith.cmpi ne, %convert_element_type3A_168, %cond3A_169 : i32
      scf.if %cond3A_170 {
        %add3A_199 = arith.constant 2 : i32
        %add3A_200 = arith.addi %add3A_147, %add3A_199 : i32
        %mul3A_201 = arith.constant 112 : i32
        %mul3A_202 = arith.muli %add3A_200, %mul3A_201 : i32
        %multiple_of3A_203 = tpu.assume_multiple %mul3A_202, 8 : i32
        %dma_start3A_204 = tpu.memref_slice %arg6[%multiple_of3A_203] : memref<1568xi32, #tpu.memory_space<vmem>> -> memref<112xi32, #tpu.memory_space<vmem>>
        %dma_start3A_205 = arith.constant 0 : i32
        %dma_start3A_206 = arith.constant 0 : i32
        %dma_start3A_207 = tpu.memref_slice %arg3[%dma_start3A_205, %dma_start3A_206] : memref<100000x128xf32, #tpu.memory_space<hbm>> -> memref<100000x128xf32, #tpu.memory_space<hbm>>
        tpu.enqueue_indirect_dma source(%dma_start3A_207 : memref<100000x128xf32, #tpu.memory_space<hbm>>) target(%arg7 : memref<112x128xf32, #tpu.memory_space<vmem>>) offsets(%dma_start3A_204 : memref<112xi32, #tpu.memory_space<vmem>>) semaphore(%arg12 : memref<!tpu.dma_semaphore, #tpu.memory_space<semaphore_mem>>)
        %dma_start3A_208 = tpu.memref_slice %arg6[%multiple_of3A_203] : memref<1568xi32, #tpu.memory_space<vmem>> -> memref<112xi32, #tpu.memory_space<vmem>>
        %dma_start3A_209 = arith.constant 0 : i32
        %dma_start3A_210 = arith.constant 0 : i32
        %dma_start3A_211 = tpu.memref_slice %arg4[%dma_start3A_209, %dma_start3A_210] : memref<100000x128xf32, #tpu.memory_space<hbm>> -> memref<100000x128xf32, #tpu.memory_space<hbm>>
        tpu.enqueue_indirect_dma source(%dma_start3A_211 : memref<100000x128xf32, #tpu.memory_space<hbm>>) target(%arg9 : memref<112x128xf32, #tpu.memory_space<vmem>>) offsets(%dma_start3A_208 : memref<112xi32, #tpu.memory_space<vmem>>) semaphore(%arg12 : memref<!tpu.dma_semaphore, #tpu.memory_space<semaphore_mem>>)
      } else {
      }
      %mul3A_171 = arith.constant 2 : i32
      %mul3A_172 = arith.muli %mul3A_171, %scan3A_127 : i32
      %add3A_173 = arith.constant 1 : i32
      %add3A_174 = arith.addi %mul3A_172, %add3A_173 : i32
      %mul3A_175 = arith.constant 112 : i32
      %mul3A_176 = arith.muli %add3A_174, %mul3A_175 : i32
      %multiple_of3A_177 = tpu.assume_multiple %mul3A_176, 8 : i32
      %dma_wait3A_178 = tpu.memref_slice %arg6[%multiple_of3A_177] : memref<1568xi32, #tpu.memory_space<vmem>> -> memref<112xi32, #tpu.memory_space<vmem>>
      %dma_wait3A_179 = arith.constant 0 : i32
      %dma_wait3A_180 = arith.constant 0 : i32
      %dma_wait3A_181 = tpu.memref_slice %arg3[%dma_wait3A_179, %dma_wait3A_180] : memref<100000x128xf32, #tpu.memory_space<hbm>> -> memref<100000x128xf32, #tpu.memory_space<hbm>>
      tpu.wait_indirect_dma semaphore(%arg13 : memref<!tpu.dma_semaphore, #tpu.memory_space<semaphore_mem>>) src(%dma_wait3A_181 : memref<100000x128xf32, #tpu.memory_space<hbm>>) dst(%arg8 : memref<112x128xf32, #tpu.memory_space<vmem>>)
      %dma_wait3A_182 = tpu.memref_slice %arg6[%multiple_of3A_177] : memref<1568xi32, #tpu.memory_space<vmem>> -> memref<112xi32, #tpu.memory_space<vmem>>
      %dma_wait3A_183 = arith.constant 0 : i32
      %dma_wait3A_184 = arith.constant 0 : i32
      %dma_wait3A_185 = tpu.memref_slice %arg4[%dma_wait3A_183, %dma_wait3A_184] : memref<100000x128xf32, #tpu.memory_space<hbm>> -> memref<100000x128xf32, #tpu.memory_space<hbm>>
      tpu.wait_indirect_dma semaphore(%arg13 : memref<!tpu.dma_semaphore, #tpu.memory_space<semaphore_mem>>) src(%dma_wait3A_185 : memref<100000x128xf32, #tpu.memory_space<hbm>>) dst(%arg10 : memref<112x128xf32, #tpu.memory_space<vmem>>)
      %scan3A_186 = arith.constant 0 : i32
      %scan3A_187 = arith.constant 112 : i32
      %scan3A_188 = arith.addi %scan3A_186, %scan3A_187 : i32
      %scan3A_189 = arith.constant 1 : i32
      %scan3A_190:16 = scf.for %scan3A_199 = %scan3A_186 to %scan3A_188 step %scan3A_189 iter_args(%scan3A_200 = %scan3A_162#0, %scan3A_201 = %scan3A_162#1, %scan3A_202 = %scan3A_162#2, %scan3A_203 = %scan3A_162#3, %scan3A_204 = %scan3A_162#4, %scan3A_205 = %scan3A_162#5, %scan3A_206 = %scan3A_162#6, %scan3A_207 = %scan3A_162#7, %scan3A_208 = %scan3A_162#8, %scan3A_209 = %scan3A_162#9, %scan3A_210 = %scan3A_162#10, %scan3A_211 = %scan3A_162#11, %scan3A_212 = %scan3A_162#12, %scan3A_213 = %scan3A_162#13, %scan3A_214 = %scan3A_162#14, %scan3A_215 = %scan3A_162#15) -> (vector<16xf32>, vector<16xf32>, vector<16xf32>, vector<16xf32>, vector<16xf32>, vector<16xf32>, vector<16xf32>, vector<16xf32>, vector<16xf32>, vector<16xf32>, vector<16xf32>, vector<16xf32>, vector<16xf32>, vector<16xf32>, vector<16xf32>, vector<16xf32>)  : i32 {
        %get3A = arith.index_cast %scan3A_199 : i32 to index
        %get3A_216 = arith.constant 0 : index
        %get3A_217 = tpu.vector_load %arg8[%get3A, %get3A_216] {strides = array<i32>} : memref<112x128xf32, #tpu.memory_space<vmem>>, vector<1x16xf32>,
        %get3A_218 = vector.shape_cast %get3A_217 : vector<1x16xf32> to vector<16xf32>
        %add3A_219 = arith.addf %scan3A_200, %get3A_218 : vector<16xf32>
        %get3A_220 = arith.index_cast %scan3A_199 : i32 to index
        %get3A_221 = arith.constant 16 : index
        %get3A_222 = tpu.vector_load %arg8[%get3A_220, %get3A_221] {strides = array<i32>} : memref<112x128xf32, #tpu.memory_space<vmem>>, vector<1x16xf32>,
        %get3A_223 = vector.shape_cast %get3A_222 : vector<1x16xf32> to vector<16xf32>
        %add3A_224 = arith.addf %scan3A_201, %get3A_223 : vector<16xf32>
        %get3A_225 = arith.index_cast %scan3A_199 : i32 to index
        %get3A_226 = arith.constant 32 : index
        %get3A_227 = tpu.vector_load %arg8[%get3A_225, %get3A_226] {strides = array<i32>} : memref<112x128xf32, #tpu.memory_space<vmem>>, vector<1x16xf32>,
        %get3A_228 = vector.shape_cast %get3A_227 : vector<1x16xf32> to vector<16xf32>
        %add3A_229 = arith.addf %scan3A_202, %get3A_228 : vector<16xf32>
        %get3A_230 = arith.index_cast %scan3A_199 : i32 to index
        %get3A_231 = arith.constant 48 : index
        %get3A_232 = tpu.vector_load %arg8[%get3A_230, %get3A_231] {strides = array<i32>} : memref<112x128xf32, #tpu.memory_space<vmem>>, vector<1x16xf32>,
        %get3A_233 = vector.shape_cast %get3A_232 : vector<1x16xf32> to vector<16xf32>
        %add3A_234 = arith.addf %scan3A_203, %get3A_233 : vector<16xf32>
        %get3A_235 = arith.index_cast %scan3A_199 : i32 to index
        %get3A_236 = arith.constant 64 : index
        %get3A_237 = tpu.vector_load %arg8[%get3A_235, %get3A_236] {strides = array<i32>} : memref<112x128xf32, #tpu.memory_space<vmem>>, vector<1x16xf32>,
        %get3A_238 = vector.shape_cast %get3A_237 : vector<1x16xf32> to vector<16xf32>
        %add3A_239 = arith.addf %scan3A_204, %get3A_238 : vector<16xf32>
        %get3A_240 = arith.index_cast %scan3A_199 : i32 to index
        %get3A_241 = arith.constant 80 : index
        %get3A_242 = tpu.vector_load %arg8[%get3A_240, %get3A_241] {strides = array<i32>} : memref<112x128xf32, #tpu.memory_space<vmem>>, vector<1x16xf32>,
        %get3A_243 = vector.shape_cast %get3A_242 : vector<1x16xf32> to vector<16xf32>
        %add3A_244 = arith.addf %scan3A_205, %get3A_243 : vector<16xf32>
        %get3A_245 = arith.index_cast %scan3A_199 : i32 to index
        %get3A_246 = arith.constant 96 : index
        %get3A_247 = tpu.vector_load %arg8[%get3A_245, %get3A_246] {strides = array<i32>} : memref<112x128xf32, #tpu.memory_space<vmem>>, vector<1x16xf32>,
        %get3A_248 = vector.shape_cast %get3A_247 : vector<1x16xf32> to vector<16xf32>
        %add3A_249 = arith.addf %scan3A_206, %get3A_248 : vector<16xf32>
        %get3A_250 = arith.index_cast %scan3A_199 : i32 to index
        %get3A_251 = arith.constant 112 : index
        %get3A_252 = tpu.vector_load %arg8[%get3A_250, %get3A_251] {strides = array<i32>} : memref<112x128xf32, #tpu.memory_space<vmem>>, vector<1x16xf32>,
        %get3A_253 = vector.shape_cast %get3A_252 : vector<1x16xf32> to vector<16xf32>
        %add3A_254 = arith.addf %scan3A_207, %get3A_253 : vector<16xf32>
        %get3A_255 = arith.index_cast %scan3A_199 : i32 to index
        %get3A_256 = arith.constant 0 : index
        %get3A_257 = tpu.vector_load %arg10[%get3A_255, %get3A_256] {strides = array<i32>} : memref<112x128xf32, #tpu.memory_space<vmem>>, vector<1x16xf32>,
        %get3A_258 = vector.shape_cast %get3A_257 : vector<1x16xf32> to vector<16xf32>
        %add3A_259 = arith.addf %scan3A_208, %get3A_258 : vector<16xf32>
        %get3A_260 = arith.index_cast %scan3A_199 : i32 to index
        %get3A_261 = arith.constant 16 : index
        %get3A_262 = tpu.vector_load %arg10[%get3A_260, %get3A_261] {strides = array<i32>} : memref<112x128xf32, #tpu.memory_space<vmem>>, vector<1x16xf32>,
        %get3A_263 = vector.shape_cast %get3A_262 : vector<1x16xf32> to vector<16xf32>
        %add3A_264 = arith.addf %scan3A_209, %get3A_263 : vector<16xf32>
        %get3A_265 = arith.index_cast %scan3A_199 : i32 to index
        %get3A_266 = arith.constant 32 : index
        %get3A_267 = tpu.vector_load %arg10[%get3A_265, %get3A_266] {strides = array<i32>} : memref<112x128xf32, #tpu.memory_space<vmem>>, vector<1x16xf32>,
        %get3A_268 = vector.shape_cast %get3A_267 : vector<1x16xf32> to vector<16xf32>
        %add3A_269 = arith.addf %scan3A_210, %get3A_268 : vector<16xf32>
        %get3A_270 = arith.index_cast %scan3A_199 : i32 to index
        %get3A_271 = arith.constant 48 : index
        %get3A_272 = tpu.vector_load %arg10[%get3A_270, %get3A_271] {strides = array<i32>} : memref<112x128xf32, #tpu.memory_space<vmem>>, vector<1x16xf32>,
        %get3A_273 = vector.shape_cast %get3A_272 : vector<1x16xf32> to vector<16xf32>
        %add3A_274 = arith.addf %scan3A_211, %get3A_273 : vector<16xf32>
        %get3A_275 = arith.index_cast %scan3A_199 : i32 to index
        %get3A_276 = arith.constant 64 : index
        %get3A_277 = tpu.vector_load %arg10[%get3A_275, %get3A_276] {strides = array<i32>} : memref<112x128xf32, #tpu.memory_space<vmem>>, vector<1x16xf32>,
        %get3A_278 = vector.shape_cast %get3A_277 : vector<1x16xf32> to vector<16xf32>
        %add3A_279 = arith.addf %scan3A_212, %get3A_278 : vector<16xf32>
        %get3A_280 = arith.index_cast %scan3A_199 : i32 to index
        %get3A_281 = arith.constant 80 : index
        %get3A_282 = tpu.vector_load %arg10[%get3A_280, %get3A_281] {strides = array<i32>} : memref<112x128xf32, #tpu.memory_space<vmem>>, vector<1x16xf32>,
        %get3A_283 = vector.shape_cast %get3A_282 : vector<1x16xf32> to vector<16xf32>
        %add3A_284 = arith.addf %scan3A_213, %get3A_283 : vector<16xf32>
        %get3A_285 = arith.index_cast %scan3A_199 : i32 to index
        %get3A_286 = arith.constant 96 : index
        %get3A_287 = tpu.vector_load %arg10[%get3A_285, %get3A_286] {strides = array<i32>} : memref<112x128xf32, #tpu.memory_space<vmem>>, vector<1x16xf32>,
        %get3A_288 = vector.shape_cast %get3A_287 : vector<1x16xf32> to vector<16xf32>
        %add3A_289 = arith.addf %scan3A_214, %get3A_288 : vector<16xf32>
        %get3A_290 = arith.index_cast %scan3A_199 : i32 to index
        %get3A_291 = arith.constant 112 : index
        %get3A_292 = tpu.vector_load %arg10[%get3A_290, %get3A_291] {strides = array<i32>} : memref<112x128xf32, #tpu.memory_space<vmem>>, vector<1x16xf32>,
        %get3A_293 = vector.shape_cast %get3A_292 : vector<1x16xf32> to vector<16xf32>
        %add3A_294 = arith.addf %scan3A_215, %get3A_293 : vector<16xf32>
        scf.yield %add3A_219, %add3A_224, %add3A_229, %add3A_234, %add3A_239, %add3A_244, %add3A_249, %add3A_254, %add3A_259, %add3A_264, %add3A_269, %add3A_274, %add3A_279, %add3A_284, %add3A_289, %add3A_294 : vector<16xf32>, vector<16xf32>, vector<16xf32>, vector<16xf32>, vector<16xf32>, vector<16xf32>, vector<16xf32>, vector<16xf32>, vector<16xf32>, vector<16xf32>, vector<16xf32>, vector<16xf32>, vector<16xf32>, vector<16xf32>, vector<16xf32>, vector<16xf32>
      }
      %scan3A_191 = arith.constant 112 : i32
      %add3A_192 = arith.constant 2 : i32
      %add3A_193 = arith.addi %add3A_174, %add3A_192 : i32
      %lt3A_194 = arith.constant 14 : i32
      %lt3A_195 = arith.cmpi slt, %add3A_193, %lt3A_194 : i32
      %convert_element_type3A_196 = arith.extui %lt3A_195 : i1 to i32
      %cond3A_197 = arith.constant 0 : i32
      %cond3A_198 = arith.cmpi ne, %convert_element_type3A_196, %cond3A_197 : i32
      scf.if %cond3A_198 {
        %add3A_199 = arith.constant 2 : i32
        %add3A_200 = arith.addi %add3A_174, %add3A_199 : i32
        %mul3A_201 = arith.constant 112 : i32
        %mul3A_202 = arith.muli %add3A_200, %mul3A_201 : i32
        %multiple_of3A_203 = tpu.assume_multiple %mul3A_202, 8 : i32
        %dma_start3A_204 = tpu.memref_slice %arg6[%multiple_of3A_203] : memref<1568xi32, #tpu.memory_space<vmem>> -> memref<112xi32, #tpu.memory_space<vmem>>
        %dma_start3A_205 = arith.constant 0 : i32
        %dma_start3A_206 = arith.constant 0 : i32
        %dma_start3A_207 = tpu.memref_slice %arg3[%dma_start3A_205, %dma_start3A_206] : memref<100000x128xf32, #tpu.memory_space<hbm>> -> memref<100000x128xf32, #tpu.memory_space<hbm>>
        tpu.enqueue_indirect_dma source(%dma_start3A_207 : memref<100000x128xf32, #tpu.memory_space<hbm>>) target(%arg8 : memref<112x128xf32, #tpu.memory_space<vmem>>) offsets(%dma_start3A_204 : memref<112xi32, #tpu.memory_space<vmem>>) semaphore(%arg13 : memref<!tpu.dma_semaphore, #tpu.memory_space<semaphore_mem>>)
        %dma_start3A_208 = tpu.memref_slice %arg6[%multiple_of3A_203] : memref<1568xi32, #tpu.memory_space<vmem>> -> memref<112xi32, #tpu.memory_space<vmem>>
        %dma_start3A_209 = arith.constant 0 : i32
        %dma_start3A_210 = arith.constant 0 : i32
        %dma_start3A_211 = tpu.memref_slice %arg4[%dma_start3A_209, %dma_start3A_210] : memref<100000x128xf32, #tpu.memory_space<hbm>> -> memref<100000x128xf32, #tpu.memory_space<hbm>>
        tpu.enqueue_indirect_dma source(%dma_start3A_211 : memref<100000x128xf32, #tpu.memory_space<hbm>>) target(%arg10 : memref<112x128xf32, #tpu.memory_space<vmem>>) offsets(%dma_start3A_208 : memref<112xi32, #tpu.memory_space<vmem>>) semaphore(%arg13 : memref<!tpu.dma_semaphore, #tpu.memory_space<semaphore_mem>>)
      } else {
      }
      scf.yield %scan3A_190#0, %scan3A_190#1, %scan3A_190#2, %scan3A_190#3, %scan3A_190#4, %scan3A_190#5, %scan3A_190#6, %scan3A_190#7, %scan3A_190#8, %scan3A_190#9, %scan3A_190#10, %scan3A_190#11, %scan3A_190#12, %scan3A_190#13, %scan3A_190#14, %scan3A_190#15 : vector<16xf32>, vector<16xf32>, vector<16xf32>, vector<16xf32>, vector<16xf32>, vector<16xf32>, vector<16xf32>, vector<16xf32>, vector<16xf32>, vector<16xf32>, vector<16xf32>, vector<16xf32>, vector<16xf32>, vector<16xf32>, vector<16xf32>, vector<16xf32>
    }
    %scan3A_63 = arith.constant 7 : i32
    %swap3A = arith.constant 0 : index
    %swap3A_64 = tpu.vector_load %arg11[%swap3A] {strides = array<i32>} : memref<256xf32, #tpu.memory_space<vmem>>, vector<16xf32>,
    %swap3A_65 = vector.shape_cast %swap3A_64 : vector<16xf32> to vector<16xf32>
    %swap3A_66 = vector.shape_cast %scan3A_62#0 : vector<16xf32> to vector<16xf32>
    tpu.vector_store %arg11[%swap3A], %swap3A_66 {strides = array<i32>} : memref<256xf32, #tpu.memory_space<vmem>>, vector<16xf32>,
    %swap3A_67 = arith.constant 16 : index
    %swap3A_68 = tpu.vector_load %arg11[%swap3A_67] {strides = array<i32>} : memref<256xf32, #tpu.memory_space<vmem>>, vector<16xf32>,
    %swap3A_69 = vector.shape_cast %swap3A_68 : vector<16xf32> to vector<16xf32>
    %swap3A_70 = vector.shape_cast %scan3A_62#1 : vector<16xf32> to vector<16xf32>
    tpu.vector_store %arg11[%swap3A_67], %swap3A_70 {strides = array<i32>} : memref<256xf32, #tpu.memory_space<vmem>>, vector<16xf32>,
    %swap3A_71 = arith.constant 32 : index
    %swap3A_72 = tpu.vector_load %arg11[%swap3A_71] {strides = array<i32>} : memref<256xf32, #tpu.memory_space<vmem>>, vector<16xf32>,
    %swap3A_73 = vector.shape_cast %swap3A_72 : vector<16xf32> to vector<16xf32>
    %swap3A_74 = vector.shape_cast %scan3A_62#2 : vector<16xf32> to vector<16xf32>
    tpu.vector_store %arg11[%swap3A_71], %swap3A_74 {strides = array<i32>} : memref<256xf32, #tpu.memory_space<vmem>>, vector<16xf32>,
    %swap3A_75 = arith.constant 48 : index
    %swap3A_76 = tpu.vector_load %arg11[%swap3A_75] {strides = array<i32>} : memref<256xf32, #tpu.memory_space<vmem>>, vector<16xf32>,
    %swap3A_77 = vector.shape_cast %swap3A_76 : vector<16xf32> to vector<16xf32>
    %swap3A_78 = vector.shape_cast %scan3A_62#3 : vector<16xf32> to vector<16xf32>
    tpu.vector_store %arg11[%swap3A_75], %swap3A_78 {strides = array<i32>} : memref<256xf32, #tpu.memory_space<vmem>>, vector<16xf32>,
    %swap3A_79 = arith.constant 64 : index
    %swap3A_80 = tpu.vector_load %arg11[%swap3A_79] {strides = array<i32>} : memref<256xf32, #tpu.memory_space<vmem>>, vector<16xf32>,
    %swap3A_81 = vector.shape_cast %swap3A_80 : vector<16xf32> to vector<16xf32>
    %swap3A_82 = vector.shape_cast %scan3A_62#4 : vector<16xf32> to vector<16xf32>
    tpu.vector_store %arg11[%swap3A_79], %swap3A_82 {strides = array<i32>} : memref<256xf32, #tpu.memory_space<vmem>>, vector<16xf32>,
    %swap3A_83 = arith.constant 80 : index
    %swap3A_84 = tpu.vector_load %arg11[%swap3A_83] {strides = array<i32>} : memref<256xf32, #tpu.memory_space<vmem>>, vector<16xf32>,
    %swap3A_85 = vector.shape_cast %swap3A_84 : vector<16xf32> to vector<16xf32>
    %swap3A_86 = vector.shape_cast %scan3A_62#5 : vector<16xf32> to vector<16xf32>
    tpu.vector_store %arg11[%swap3A_83], %swap3A_86 {strides = array<i32>} : memref<256xf32, #tpu.memory_space<vmem>>, vector<16xf32>,
    %swap3A_87 = arith.constant 96 : index
    %swap3A_88 = tpu.vector_load %arg11[%swap3A_87] {strides = array<i32>} : memref<256xf32, #tpu.memory_space<vmem>>, vector<16xf32>,
    %swap3A_89 = vector.shape_cast %swap3A_88 : vector<16xf32> to vector<16xf32>
    %swap3A_90 = vector.shape_cast %scan3A_62#6 : vector<16xf32> to vector<16xf32>
    tpu.vector_store %arg11[%swap3A_87], %swap3A_90 {strides = array<i32>} : memref<256xf32, #tpu.memory_space<vmem>>, vector<16xf32>,
    %swap3A_91 = arith.constant 112 : index
    %swap3A_92 = tpu.vector_load %arg11[%swap3A_91] {strides = array<i32>} : memref<256xf32, #tpu.memory_space<vmem>>, vector<16xf32>,
    %swap3A_93 = vector.shape_cast %swap3A_92 : vector<16xf32> to vector<16xf32>
    %swap3A_94 = vector.shape_cast %scan3A_62#7 : vector<16xf32> to vector<16xf32>
    tpu.vector_store %arg11[%swap3A_91], %swap3A_94 {strides = array<i32>} : memref<256xf32, #tpu.memory_space<vmem>>, vector<16xf32>,
    %swap3A_95 = arith.constant 128 : index
    %swap3A_96 = tpu.vector_load %arg11[%swap3A_95] {strides = array<i32>} : memref<256xf32, #tpu.memory_space<vmem>>, vector<16xf32>,
    %swap3A_97 = vector.shape_cast %swap3A_96 : vector<16xf32> to vector<16xf32>
    %swap3A_98 = vector.shape_cast %scan3A_62#8 : vector<16xf32> to vector<16xf32>
    tpu.vector_store %arg11[%swap3A_95], %swap3A_98 {strides = array<i32>} : memref<256xf32, #tpu.memory_space<vmem>>, vector<16xf32>,
    %swap3A_99 = arith.constant 144 : index
    %swap3A_100 = tpu.vector_load %arg11[%swap3A_99] {strides = array<i32>} : memref<256xf32, #tpu.memory_space<vmem>>, vector<16xf32>,
    %swap3A_101 = vector.shape_cast %swap3A_100 : vector<16xf32> to vector<16xf32>
    %swap3A_102 = vector.shape_cast %scan3A_62#9 : vector<16xf32> to vector<16xf32>
    tpu.vector_store %arg11[%swap3A_99], %swap3A_102 {strides = array<i32>} : memref<256xf32, #tpu.memory_space<vmem>>, vector<16xf32>,
    %swap3A_103 = arith.constant 160 : index
    %swap3A_104 = tpu.vector_load %arg11[%swap3A_103] {strides = array<i32>} : memref<256xf32, #tpu.memory_space<vmem>>, vector<16xf32>,
    %swap3A_105 = vector.shape_cast %swap3A_104 : vector<16xf32> to vector<16xf32>
    %swap3A_106 = vector.shape_cast %scan3A_62#10 : vector<16xf32> to vector<16xf32>
    tpu.vector_store %arg11[%swap3A_103], %swap3A_106 {strides = array<i32>} : memref<256xf32, #tpu.memory_space<vmem>>, vector<16xf32>,
    %swap3A_107 = arith.constant 176 : index
    %swap3A_108 = tpu.vector_load %arg11[%swap3A_107] {strides = array<i32>} : memref<256xf32, #tpu.memory_space<vmem>>, vector<16xf32>,
    %swap3A_109 = vector.shape_cast %swap3A_108 : vector<16xf32> to vector<16xf32>
    %swap3A_110 = vector.shape_cast %scan3A_62#11 : vector<16xf32> to vector<16xf32>
    tpu.vector_store %arg11[%swap3A_107], %swap3A_110 {strides = array<i32>} : memref<256xf32, #tpu.memory_space<vmem>>, vector<16xf32>,
    %swap3A_111 = arith.constant 192 : index
    %swap3A_112 = tpu.vector_load %arg11[%swap3A_111] {strides = array<i32>} : memref<256xf32, #tpu.memory_space<vmem>>, vector<16xf32>,
    %swap3A_113 = vector.shape_cast %swap3A_112 : vector<16xf32> to vector<16xf32>
    %swap3A_114 = vector.shape_cast %scan3A_62#12 : vector<16xf32> to vector<16xf32>
    tpu.vector_store %arg11[%swap3A_111], %swap3A_114 {strides = array<i32>} : memref<256xf32, #tpu.memory_space<vmem>>, vector<16xf32>,
    %swap3A_115 = arith.constant 208 : index
    %swap3A_116 = tpu.vector_load %arg11[%swap3A_115] {strides = array<i32>} : memref<256xf32, #tpu.memory_space<vmem>>, vector<16xf32>,
    %swap3A_117 = vector.shape_cast %swap3A_116 : vector<16xf32> to vector<16xf32>
    %swap3A_118 = vector.shape_cast %scan3A_62#13 : vector<16xf32> to vector<16xf32>
    tpu.vector_store %arg11[%swap3A_115], %swap3A_118 {strides = array<i32>} : memref<256xf32, #tpu.memory_space<vmem>>, vector<16xf32>,
    %swap3A_119 = arith.constant 224 : index
    %swap3A_120 = tpu.vector_load %arg11[%swap3A_119] {strides = array<i32>} : memref<256xf32, #tpu.memory_space<vmem>>, vector<16xf32>,
    %swap3A_121 = vector.shape_cast %swap3A_120 : vector<16xf32> to vector<16xf32>
    %swap3A_122 = vector.shape_cast %scan3A_62#14 : vector<16xf32> to vector<16xf32>
    tpu.vector_store %arg11[%swap3A_119], %swap3A_122 {strides = array<i32>} : memref<256xf32, #tpu.memory_space<vmem>>, vector<16xf32>,
    %swap3A_123 = arith.constant 240 : index
    %swap3A_124 = tpu.vector_load %arg11[%swap3A_123] {strides = array<i32>} : memref<256xf32, #tpu.memory_space<vmem>>, vector<16xf32>,
    %swap3A_125 = vector.shape_cast %swap3A_124 : vector<16xf32> to vector<16xf32>
    %swap3A_126 = vector.shape_cast %scan3A_62#15 : vector<16xf32> to vector<16xf32>
    tpu.vector_store %arg11[%swap3A_123], %swap3A_126 {strides = array<i32>} : memref<256xf32, #tpu.memory_space<vmem>>, vector<16xf32>,
    "tpu.region"() ({
      %run_scoped3A = tpu.sem_alloc : memref<!tpu.dma_semaphore, #tpu.memory_space<semaphore_mem>>
      %dma_start3A_127 = arith.constant 0 : i32
      %dma_start3A_128 = tpu.memref_slice %arg5[%add3A, %dma_start3A_127] : memref<32x256xf32, #tpu.memory_space<hbm>> -> memref<1x256xf32, #tpu.memory_space<hbm>>
      %dma_start3A_129 = tpu.memref_squeeze %dma_start3A_128 : memref<1x256xf32, #tpu.memory_space<hbm>> -> memref<256xf32, #tpu.memory_space<hbm>>
      %dma_start3A_130 = arith.constant 0 : i32
      %dma_start3A_131 = tpu.memref_slice %arg5[%add3A, %dma_start3A_130] : memref<32x256xf32, #tpu.memory_space<hbm>> -> memref<1x256xf32, #tpu.memory_space<hbm>>
      %dma_start3A_132 = tpu.memref_squeeze %dma_start3A_131 : memref<1x256xf32, #tpu.memory_space<hbm>> -> memref<256xf32, #tpu.memory_space<hbm>>
      tpu.enqueue_dma source(%arg11 : memref<256xf32, #tpu.memory_space<vmem>>) target(%dma_start3A_132 : memref<256xf32, #tpu.memory_space<hbm>>) target_semaphore(%run_scoped3A : memref<!tpu.dma_semaphore, #tpu.memory_space<semaphore_mem>>)
      %dma_wait3A = arith.constant 0 : i32
      %dma_wait3A_133 = tpu.memref_slice %arg5[%add3A, %dma_wait3A] : memref<32x256xf32, #tpu.memory_space<hbm>> -> memref<1x256xf32, #tpu.memory_space<hbm>>
      %dma_wait3A_134 = tpu.memref_squeeze %dma_wait3A_133 : memref<1x256xf32, #tpu.memory_space<hbm>> -> memref<256xf32, #tpu.memory_space<hbm>>
      %dma_wait3A_135 = arith.constant 0 : i32
      %dma_wait3A_136 = tpu.memref_slice %arg5[%add3A, %dma_wait3A_135] : memref<32x256xf32, #tpu.memory_space<hbm>> -> memref<1x256xf32, #tpu.memory_space<hbm>>
      %dma_wait3A_137 = tpu.memref_squeeze %dma_wait3A_136 : memref<1x256xf32, #tpu.memory_space<hbm>> -> memref<256xf32, #tpu.memory_space<hbm>>
      tpu.wait_dma2 semaphore(%run_scoped3A : memref<!tpu.dma_semaphore, #tpu.memory_space<semaphore_mem>>) src(%arg11 : memref<256xf32, #tpu.memory_space<vmem>>) dst(%dma_wait3A_137 : memref<256xf32, #tpu.memory_space<hbm>>)
      tpu.yield
    }) : () -> ()
    return
  }
}

module attributes {stable_mosaic.version = 14 : i64} {
  func.func @_combine_body(%arg0: i32, %arg1: memref<32x256xf32, #tpu.memory_space<vmem>>, %arg2: memref<128x128xf32, #tpu.memory_space<vmem>>, %arg3: memref<1x128xf32, #tpu.memory_space<vmem>>, %arg4: memref<8x128xf32, #tpu.memory_space<vmem>>, %arg5: memref<8x128xf32, #tpu.memory_space<vmem>>, %arg6: memref<1x128xf32, #tpu.memory_space<vmem>>) attributes {dimension_semantics = [#tpu.dimension_semantics<arbitrary>], iteration_bounds = array<i64: 1>, scalar_prefetch = 0 : i64, scratch_operands = 0 : i64, tpu.core_type = #tpu.core_type<tc>, window_params = [{pipeline_mode = #tpu.pipeline_mode<synchronous>, transform_indices = @transform_0, window_bounds = array<i64: 32, 256>}, {pipeline_mode = #tpu.pipeline_mode<synchronous>, transform_indices = @transform_1, window_bounds = array<i64: 128, 128>}, {pipeline_mode = #tpu.pipeline_mode<synchronous>, transform_indices = @transform_2, window_bounds = array<i64: 1, 128>}, {transform_indices = @transform_3, window_bounds = array<i64: 8, 128>}, {transform_indices = @transform_4, window_bounds = array<i64: 8, 128>}, {pipeline_mode = #tpu.pipeline_mode<synchronous>, transform_indices = @transform_5, window_bounds = array<i64: 1, 128>}]} {
    %get3A = arith.constant 0 : index
    %get3A_0 = arith.constant 0 : index
    %get3A_1 = vector.load %arg1[%get3A, %get3A_0] : memref<32x256xf32, #tpu.memory_space<vmem>>, vector<32x256xf32>
    %reduce_sum3A = arith.constant dense<0.000000e+00> : vector<256xf32>
    %reduce_sum3A_2 = vector.multi_reduction <add>, %get3A_1, %reduce_sum3A [0] : vector<32x256xf32> to vector<256xf32>
    %broadcast_in_dim3A = vector.shape_cast %reduce_sum3A_2 : vector<256xf32> to vector<1x256xf32>
    %slice3A = vector.extract_strided_slice %broadcast_in_dim3A {offsets = [0, 0], sizes = [1, 128], strides = [1, 1]} : vector<1x256xf32> to vector<1x128xf32>
    %get3A_3 = arith.constant 0 : index
    %get3A_4 = arith.constant 0 : index
    %get3A_5 = vector.load %arg4[%get3A_3, %get3A_4] : memref<8x128xf32, #tpu.memory_space<vmem>>, vector<1x128xf32>
    %mul3A = arith.constant 1.760000e+02 : f32
    %mul3A_6 = vector.broadcast %mul3A : f32 to vector<1x128xf32>
    %mul3A_7 = arith.mulf %mul3A_6, %get3A_5 : vector<1x128xf32>
    %sub3A = arith.subf %slice3A, %mul3A_7 : vector<1x128xf32>
    %slice3A_8 = vector.extract_strided_slice %broadcast_in_dim3A {offsets = [0, 128], sizes = [1, 128], strides = [1, 1]} : vector<1x256xf32> to vector<1x128xf32>
    %get3A_9 = arith.constant 0 : index
    %get3A_10 = arith.constant 0 : index
    %get3A_11 = vector.load %arg5[%get3A_9, %get3A_10] : memref<8x128xf32, #tpu.memory_space<vmem>>, vector<1x128xf32>
    %mul3A_12 = arith.constant 1.760000e+02 : f32
    %mul3A_13 = vector.broadcast %mul3A_12 : f32 to vector<1x128xf32>
    %mul3A_14 = arith.mulf %mul3A_13, %get3A_11 : vector<1x128xf32>
    %sub3A_15 = arith.subf %slice3A_8, %mul3A_14 : vector<1x128xf32>
    %get3A_16 = arith.constant 0 : index
    %get3A_17 = arith.constant 0 : index
    %get3A_18 = vector.load %arg2[%get3A_16, %get3A_17] : memref<128x128xf32, #tpu.memory_space<vmem>>, vector<128x128xf32>
    %dot_general3A = arith.constant dense<0.000000e+00> : vector<1x128xf32>
    %dot_general3A_19 = tpu.matmul %sub3A, %get3A_18, %dot_general3A {dimension_numbers = #tpu.dot_dimension_numbers<[1], [1], [0], [0], [0, 0, 1, 0], [], []>, transpose_lhs_hint = false} : vector<1x128xf32>, vector<128x128xf32>, vector<1x128xf32> -> vector<1x128xf32>
    %add3A = arith.addf %sub3A_15, %dot_general3A_19 : vector<1x128xf32>
    %get3A_20 = arith.constant 0 : index
    %get3A_21 = arith.constant 0 : index
    %get3A_22 = vector.load %arg3[%get3A_20, %get3A_21] : memref<1x128xf32, #tpu.memory_space<vmem>>, vector<1x128xf32>
    %mul3A_23 = arith.constant 5.000000e+04 : f32
    %mul3A_24 = vector.broadcast %mul3A_23 : f32 to vector<1x128xf32>
    %mul3A_25 = arith.mulf %mul3A_24, %get3A_22 : vector<1x128xf32>
    %add3A_26 = arith.addf %add3A, %mul3A_25 : vector<1x128xf32>
    %swap3A = arith.constant 0 : index
    %swap3A_27 = arith.constant 0 : index
    %swap3A_28 = vector.load %arg6[%swap3A, %swap3A_27] : memref<1x128xf32, #tpu.memory_space<vmem>>, vector<1x128xf32>
    tpu.vector_store %arg6[%swap3A, %swap3A_27], %add3A_26 {strides = array<i32>} : memref<1x128xf32, #tpu.memory_space<vmem>>, vector<1x128xf32>,
    return
  }
  func.func @transform_0(%arg0: i32) -> (i32, i32) {
    %c0_i32 = arith.constant 0 : i32
    %c0_i32_0 = arith.constant 0 : i32
    %c0_i32_1 = arith.constant 0 : i32
    return %c0_i32, %c0_i32_0 : i32, i32
  }
  func.func @transform_1(%arg0: i32) -> (i32, i32) {
    %c0_i32 = arith.constant 0 : i32
    %c0_i32_0 = arith.constant 0 : i32
    %c0_i32_1 = arith.constant 0 : i32
    return %c0_i32, %c0_i32_0 : i32, i32
  }
  func.func @transform_2(%arg0: i32) -> (i32, i32) {
    %c0_i32 = arith.constant 0 : i32
    %c0_i32_0 = arith.constant 0 : i32
    %c0_i32_1 = arith.constant 0 : i32
    return %c0_i32, %c0_i32_0 : i32, i32
  }
  func.func @transform_3(%arg0: i32) -> (i32, i32) {
    %c0_i32 = arith.constant 0 : i32
    %c0_i32_0 = arith.constant 0 : i32
    %c0_i32_1 = arith.constant 0 : i32
    return %c0_i32, %c0_i32_0 : i32, i32
  }
  func.func @transform_4(%arg0: i32) -> (i32, i32) {
    %c0_i32 = arith.constant 0 : i32
    %c0_i32_0 = arith.constant 0 : i32
    %c0_i32_1 = arith.constant 0 : i32
    return %c0_i32, %c0_i32_0 : i32, i32
  }
  func.func @transform_5(%arg0: i32) -> (i32, i32) {
    %c0_i32 = arith.constant 0 : i32
    %c0_i32_0 = arith.constant 0 : i32
    %c0_i32_1 = arith.constant 0 : i32
    return %c0_i32, %c0_i32_0 : i32, i32
  }
}

</mosaic_0001>

<sc_bundles>
// kernel: kernel.4.cloned.1.call-start
scs
__scs_entry_jumppad:
0x0: {  	(pc) =	sbr.rel $0x88, $3  }
0x1: {  	(tag) =	ssettag $0x0;
	lr =	simm.s32 $0x1  }
0x2: {  	[smem:$0x3F9C] =	sst lr;
	_ =	strace $0xD0000000  }
0x3: {  	_ = 	snop  }
0x4: {  	_ = 	snop  }
0x5: {  	_ = 	snop  }
0x6: {  	_ = 	snop  }
0x7: {  	_ = 	snop  }
__scs_overlays_trampoline_lowered:
0x8: {  	[smem:$0x3FAB] =	sst s0  }
0x9: {  	[smem:$0x3FAC] =	sst s1  }
0xa: {  	[smem:$0x3FAD] =	sst s2  }
0xb: {  	[smem:$0x3FAE] =	sst s3  }
0xc: {  	[smem:$0x3FAF] =	sst s4  }
0xd: {  	[smem:$0x3FB0] =	sst s5  }
0xe: {  	[smem:$0x3FB1] =	sst s6  }
0xf: {  	[smem:$0x3FB2] =	sst s7  }
0x10: {  	[smem:$0x3FB3] =	sst s8  }
0x11: {  	[smem:$0x3FB4] =	sst s9;
	s0 =	simm.s32 @!p0 $0x0  }
0x12: {  	s1 =	sld [smem:$0x3F9A];
	s0 =	simm.s32 @p0 $0x1  }
0x13: {  	[smem:$0x3FB5] =	sst s0;
	s0 =	simm.s32 @!p1 $0x0  }
0x14: {  	s2 =	sld [smem:$0x3F99];
	s0 =	simm.s32 @p1 $0x1  }
0x15: {  	[smem:$0x3FB6] =	sst s0;
	s0 =	simm.s32 @!p2 $0x0  }
0x16: {  	s3 =	sld [smem:$0x3FDB];
	s0 =	simm.s32 @p2 $0x1  }
0x17: {  	s4 =	simm.s32 $0x1BF5;
	[smem:$0x3FB8] =	sst s0  }
0x18: {  	s0 =	sld [smem:$0x3F9B];
	_ =	swait.ge [sflag:s4], $0x0  }
0x19: {  	s7 =	sld [smem:$0x3F9C]  }
0x1a: {  	s8 =	sadd.s32 $0xFFFFE003, lr  }
0x1b: {  	s9 =	sadd.s32 $0xFFFFFEF7, lr;
	s5 =	simm.s32 $0xFFFFFFFF;
	p2 =	slt.u32 s8, $0xFFFFF086  }
0x1c: {  	p1 =	slt.u32 s9, $0xF7A;
	s5 =	simm.s32 @!p2 $0x0  }
0x1d: {  	s5 =	simm.s32 @p1 $0x1;
	p0 =	seq.s32 s7, s2  }
0x1e: {  	s7 =	smul.u32 @!p0 $0xF7A, s2;
	p2 =	seq.s32 @!p0 s5, $0x0  }
0x1f: {  	s9 =	smul.u32 $0xF7A, s1;
	s8 =	simm.s32 @!p0 $0x1BF5;
	p2 =	por !p2, p0  }
0x20: {  	[sflag:s8] =	ssyncset.s32 @!p0 $0xFFFFF086;
	s6 =	sadd.s32 @!p0 s3, s7;
	s7 =	simm.s32 @!p0 $0x108  }
0x21: {  	s3 =	sadd.s32 s3, s9;
	s6 =	sadd.s32 @!p0 $0x88, s6;
	s7 =	simm.s32 @p2 $0x1082  }
0x22: {  	[simem:s7], [sflag:s8] =	dma.local @!p0 [hbm:s6], $0xF7A  }
0x23: {  	s9 =	sor.u32 $0xD0000000, s2;
	s6 =	simm.s32 $0x108;
	_ =	swait.ge @!p0 [sflag:s8], $0x0  }
0x24: {  	s3 =	sadd.s32 $0x88, s3;
	s6 =	simm.s32 @!p1 $0x1082;
	[sflag:s4] =	ssyncset.s32 $0xFFFFF086  }
0x25: {  	[simem:s6], [sflag:s4] =	dma.local [hbm:s3], $0xF7A  }
0x26: {  	[smem:$0x3F9C] =	sst s1;
	(tag) =	ssettag s2;
	_ =	strace s9  }
0x27: {  	s1 =	sld [smem:$0x3FAC]  }
0x28: {  	s2 =	sld [smem:$0x3FAD]  }
0x29: {  	s4 =	sld [smem:$0x3FAF]  }
0x2a: {  	p0 =	seq.s32 s5, $0x0;
	s5 =	sld [smem:$0x3FB0]  }
0x2b: {  	s6 =	sld [smem:$0x3FB1]  }
0x2c: {  	s7 =	sld [smem:$0x3FB2]  }
0x2d: {  	s3 =	simm.s32 $0x108;
	s8 =	sld [smem:$0x3FB3]  }
0x2e: {  	s3 =	simm.s32 @!p0 $0x1082;
	s9 =	sld [smem:$0x3FB4]  }
0x2f: {  	lr =	sadd.s32 s0, s3;
	s0 =	sld [smem:$0x3FAB]  }
0x30: {  	s3 =	sld [smem:$0x3FAE]  }
0x31: {  	[smem:$0x3FB7] =	sst s10  }
0x32: {  	s10 =	sld [smem:$0x3FB5];
	_ =	sdelay $0x3  }
0x33: {  	p0 =	seq.s32 s10, $0x1;
	s10 =	sld [smem:$0x3FB7];
	_ =	sdelay $0x3  }
0x34: {  	[smem:$0x3FB7] =	sst s10  }
0x35: {  	s10 =	sld [smem:$0x3FB6];
	_ =	sdelay $0x3  }
0x36: {  	p1 =	seq.s32 s10, $0x1;
	s10 =	sld [smem:$0x3FB7];
	_ =	sdelay $0x3  }
0x37: {  	[smem:$0x3FB7] =	sst s10  }
0x38: {  	s10 =	sld [smem:$0x3FB8]  }
0x39: {  	_ = 	snop;
	(pc) =	sbr.ind lr, $3  }
0x3a: {  	_ = 	snop  }
0x3b: {  	_ = 	snop  }
0x3c: {  	p2 =	seq.s32 s10, $0x1;
	s10 =	sld [smem:$0x3FB7]  }
0x3d: {  	_ =	shalt  }
0x3e: {  	_ =	shalt  }
0x3f: {  	_ =	shalt  }
0x40: {  	_ =	shalt  }
0x41: {  	_ =	shalt  }
0x42: {  	_ =	shalt  }
0x43: {  	_ =	shalt  }
0x44: {  	_ =	shalt  }
0x45: {  	_ =	shalt  }
0x46: {  	_ =	shalt  }
0x47: {  	_ =	shalt  }
0x48: {  	_ =	shalt  }
0x49: {  	_ =	shalt  }
0x4a: {  	_ =	shalt  }
0x4b: {  	_ =	shalt  }
0x4c: {  	_ =	shalt  }
0x4d: {  	_ =	shalt  }
0x4e: {  	_ =	shalt  }
0x4f: {  	_ =	shalt  }
0x50: {  	_ =	shalt  }
0x51: {  	_ =	shalt  }
0x52: {  	_ =	shalt  }
0x53: {  	_ =	shalt  }
0x54: {  	_ =	shalt  }
0x55: {  	_ =	shalt  }
0x56: {  	_ =	shalt  }
0x57: {  	_ =	shalt  }
0x58: {  	_ =	shalt  }
0x59: {  	_ =	shalt  }
0x5a: {  	_ =	shalt  }
0x5b: {  	_ =	shalt  }
0x5c: {  	_ =	shalt  }
0x5d: {  	_ =	shalt  }
0x5e: {  	_ =	shalt  }
0x5f: {  	_ =	shalt  }
0x60: {  	_ =	shalt  }
0x61: {  	_ =	shalt  }
0x62: {  	_ =	shalt  }
0x63: {  	_ =	shalt  }
0x64: {  	_ =	shalt  }
0x65: {  	_ =	shalt  }
0x66: {  	_ =	shalt  }
0x67: {  	_ =	shalt  }
0x68: {  	_ =	shalt  }
0x69: {  	_ =	shalt  }
0x6a: {  	_ =	shalt  }
0x6b: {  	_ =	shalt  }
0x6c: {  	_ =	shalt  }
0x6d: {  	_ =	shalt  }
0x6e: {  	_ =	shalt  }
0x6f: {  	_ =	shalt  }
0x70: {  	_ =	shalt  }
0x71: {  	_ =	shalt  }
0x72: {  	_ =	shalt  }
0x73: {  	_ =	shalt  }
0x74: {  	_ =	shalt  }
0x75: {  	_ =	shalt  }
0x76: {  	_ =	shalt  }
0x77: {  	_ =	shalt  }
0x78: {  	_ =	shalt  }
0x79: {  	_ =	shalt  }
0x7a: {  	_ =	shalt  }
0x7b: {  	_ =	shalt  }
0x7c: {  	_ =	shalt  }
0x7d: {  	_ =	shalt  }
0x7e: {  	_ =	shalt  }
0x7f: {  	_ =	shalt  }
0x80: {  	_ =	shalt  }
0x81: {  	_ =	shalt  }
0x82: {  	_ =	shalt  }
0x83: {  	_ =	shalt  }
0x84: {  	_ =	shalt  }
0x85: {  	_ =	shalt  }
0x86: {  	_ =	shalt  }
0x87: {  	_ =	shalt  }
.Lfunc_end0:
.L_simem_size_0:
called_computation_lowered:
.L_overlay_start_0:
0x88: {  	s2 =	sld [smem:$0x3FD9]  }
0x89: {  	s3 =	sld [smem:$0x3FFE];
	_ =	sdelay $0x1  }
0x8a: {  	s1 =	srdreg.scid  }
0x8b: {  	s0 =	sand.u32 $0x1, s1  }
0x8c: {  	s17 =	sshll.u32 s0, $0xA;
	s2 =	sadd.s32 s3, s2  }
0x8d: {  	s2 =	sadd.s32 s2, s17  }
0x8e: {  	[smem:$0x3FC3] =	sst s2  }
0x8f: {  	_ = 	snop  }
0x90: {  	s2 =	sld [smem:$0x3FC9]  }
0x91: {  	s18 =	sld [smem:$0x3FC8]  }
0x92: {  	s4 =	sld [smem:$0x3FC7];
	(tm) =	ssettm $0x1  }
0x93: {  	s5 =	sld [smem:$0x3FFB];
	_ =	sdelay $0x3  }
0x94: {  	_ =	strace s5  }
0x95: {  	s5 =	sld [smem:$0x3FFC];
	_ =	sdelay $0x3  }
0x96: {  	_ =	strace s5  }
0x97: {  	s5 =	sld [smem:$0x3FFD];
	_ =	sdelay $0x3  }
0x98: {  	_ =	strace s5  }
0x99: {  	_ =	strace $0x8FFFFFFF  }
0x9a: {  	s19 =	sld [smem:$0x3FDB];
	_ =	sdelay $0x1  }
0x9b: {  	s6 =	simm.s32 $_scs_section_size  }
0x9c: {  	s7 =	simm.s32 $_size__tile_overlayer_lowered;
	s8 =	simm.s32 $_tile_overlayer_lowered  }
0x9d: {  	s22 =	simm.s32 $0x1BFF;
	s21 =	sshll.u32 s8, $0x1;
	s5 =	sadd.s32 s6, s19  }
0x9e: {  	s9 =	simm.s32 $0x0;
	s20 =	sshll.u32 s7, $0x1;
	s7 =	sadd.s32 s21, s5  }
0x9f: {  	[timem:s9], [sflag:s22] =	dma.local [hbm:s7], s20  }
0xa0: {  	_ =	swait.ge [sflag:s22], s20  }
0xa1: {  	s6 =	ssub.s32 $0x0, s20;
	[sflag:s22] =	ssyncset.done $0x0  }
0xa2: {  	[sflag:s22] =	ssyncadd.s32 s6;
	_ =	sdelay $0x1  }
0xa3: {  	s23 =	simm.s32 $0x1B8B  }
0xa4: {  	_ =	swait.ge [sflag:s23], $0x1  }
0xa5: {  	[sflag:s23] =	ssyncset.done $0x0  }
0xa6: {  	s25 =	simm.s32 $0x1B8E;
	s24 =	sld [smem:$0x3FFE];
	[sflag:s23] =	ssyncadd.s32 $0xFFFFFFFF  }
0xa7: {  	s26 =	simm.s32 $execute0_lowered;
	[smem:$0x3FD2] =	sst s25  }
0xa8: {  	s7 =	sshll.u32 s26, $0x1;
	_ =	strace $0x80000046;
	[dreg:$0x1] =	wrdreg $0xFFFFFFFF  }
0xa9: {  	s28 =	simm.s32 $_size_execute0_lowered;
	s5 =	sadd.s32 s5, s7;
	[dreg:$0x0] =	wrdreg $0x0  }
0xaa: {  	s7 =	sshll.u32 s28, $0x1;
	[dreg:$0x2] =	wrdreg s5  }
0xab: {  	[dreg:$0x3] =	wrdreg s7  }
0xac: {  	[dreg:$0x4] =	wrdreg $0xC0  }
0xad: {  	_ =	task [dreg:s9], $0x5FFFF  }
0xae: {  	[dreg:$0x1] =	wrdreg $0xFFFFFFFF  }
0xaf: {  	[dreg:$0x0] =	wrdreg $0x60  }
0xb0: {  	[dreg:$0x2] =	wrdreg s2  }
0xb1: {  	[dreg:$0x3] =	wrdreg s18  }
0xb2: {  	[dreg:$0x4] =	wrdreg s4  }
0xb3: {  	[dreg:$0x5] =	wrdreg s24  }
0xb4: {  	[dreg:$0x6] =	wrdreg $0x9  }
0xb5: {  	_ =	task.clear_ibuf [dreg:s9], $0x7FFFF;
	_ =	strace $0x90000046  }
0xb6: {  	s29 =	simm.s32 $0x9;
	_ =	strace $0x80000048  }
0xb7: {  	_ =	swait.ge [sflag:s29], $0x1  }
0xb8: {  	[sflag:s29] =	ssyncadd.s32 $0xFFFFFFFF  }
0xb9: {  	_ =	strace $0x90000048  }
0xba: {  	_ =	sfence  }
0xbb: {  	s30 =	sld [smem:$0x0];
	_ =	sdelay $0x2  }
0xbc: {  	s31 =	sshll.u32 s1, $0xD;
	s1 =	sshrl.u32 s1, $0x2  }
0xbd: {  	s3 =	sand.u32 $0x4000, s31;
	s1 =	sadd.s32 s1, s30  }
0xbe: {  	s0 =	sor.u32 s3, s0;
	s1 =	sshll.u32 s1, $0x11  }
0xbf: {  	s0 =	sor.u32 s1, s0  }
0xc0: {  	s0 =	sadd.s32 $0x8F2B, s0  }
0xc1: {  	[sflag:s0] =	ssyncadd.remote.s32 $0x1  }
0xc2: {  	_ =	sfence.sel $0xFFFF  }
0xc3: {  	[dreg:$0x0] =	wrdreg $0xFFFFFFFF;
	(pc) =	sbr.abs _section_cstart, $3  }
0xc4: {  	[dreg:$0x1] =	wrdreg $0xFFFFFFFF  }
0xc5: {  	_ =	task.clear_ibuf [dreg:s9], $0x2FFFF;
	_ =	strace $0x9FFFFFFF  }
0xc6: {  	(tm) =	ssettm $0x7FFFFFFF  }
0xc7: {  	_ =	shalt  }
tec
execute0_lowered:
.L_overlay_start_1:
0x0: {  	(tag) =	ssettag $0x1  }
0x1: {  	s6 =	rddreg [dreg:$0x0]  }
0x2: {  	s1 =	rddreg [dreg:$0x1]  }
0x3: {  	s2 =	rddreg [dreg:$0x2]  }
0x4: {  	s5 =	rddreg [dreg:$0x3]  }
0x5: {  	s0 =	rddreg [dreg:$0x4]  }
0x6: {  	s4 =	simm.s32 $0x0;
	s3 =	stileid.u32;
	s7 =	srdreg.scid  }
0x7: {  	s13 =	simm.s32 $0xAE80;
	s14 =	simm.s32 $0x1;
	s15 =	simm.s32 $0x2  }
0x8: {  	s16 =	simm.s32 $0x80;
	s17 =	simm.s32 $0x400;
	s18 =	simm.s32 $0xE680  }
0x9: {  	s19 =	simm.s32 $0x3;
	s20 =	simm.s32 $0x0;
	[smem:$0x7FF] =	sst s4  }
0xa: {  	s8 =	sshll.u32 s3, $0x6;
	s7 =	sand.u32 $0x1, s7;
	s9 =	sshll.u32 s3, $0x1  }
0xb: {  	_ =	strace $0x80000047;
	s10 =	ssub.s32 $0x2, s7;
	s9 =	sor.u32 s7, s9  }
0xc: {  	s8 =	sand.u32 $0x300, s8;
	s30 =	sshrl.u32 s10, $0x1;
	s11 =	smul.u32 $0xC4, s9  }
.Ltmp0:
0xd: {  	s12 =	sshll.u32 s9, $0x4;
	s8 =	sadd.s32 s8, s5;
	(pc) =	sbr.rel .LBB2_1-.Ltmp0, $4  }
0xe: {  	p0 =	seq.s32 s9, $0x1F;
	s9 =	simm.s32 $0x70;
	s10 =	ssub.s32 s10, s30  }
0xf: {  	s31 =	sand.u32 $0x70, s12;
	s12 =	simm.s32 $0x3E80;
	s5 =	sadd.s32 s6, s11  }
0x10: {  	s6 =	sadd.s32 $0x17BC, s6;
	s7 =	sadd.s32 s31, s8;
	s8 =	smax.u32 s10, $0x1  }
0x11: {  	s10 =	simm.s32 $0x680;
	s11 =	simm.s32 $0x7680;
	s7 =	sadd.s32 $0xA00, s7  }
.LBB2_8:
0x12: {  	[tilespmem:$0xE680] =	vst v16  }
0x13: {  	[tilespmem:$0xE690] =	vst v7  }
0x14: {  	[tilespmem:$0xE6A0] =	vst v8  }
0x15: {  	[tilespmem:$0xE6B0] =	vst v9  }
0x16: {  	[tilespmem:$0xE6C0] =	vst v10  }
0x17: {  	[tilespmem:$0xE6D0] =	vst v11  }
0x18: {  	[tilespmem:$0xE6E0] =	vst v12  }
0x19: {  	[tilespmem:$0xE6F0] =	vst v13  }
0x1a: {  	[tilespmem:$0xE700] =	vst v14  }
0x1b: {  	[tilespmem:$0xE710] =	vst v15  }
0x1c: {  	[tilespmem:$0xE720] =	vst v4  }
0x1d: {  	[tilespmem:$0xE730] =	vst v3  }
0x1e: {  	[tilespmem:$0xE740] =	vst v2  }
0x1f: {  	[tilespmem:$0xE750] =	vst v1;
	s20 =	sadd.s32 $0x1, s20  }
0x20: {  	[tilespmem:$0xE760] =	vst v0;
	p1 =	sne.s32 s20, s8  }
.Ltmp1:
0x21: {  	[tilespmem:$0xE770] =	vst v6;
	(pc) =	sbr.rel @!p1 .LBB2_9-.Ltmp1, $4  }
0x22: {  	[hbm4b:s7+s16] =	stream.strided.scatter [tilespmem:s18], [sflag:$0x3], $0x100, s17, s16, $0x38;
	[tilespmem:$0xE780] =	vst v63  }
0x23: {  	_ =	swait.ge [sflag:s19], $0x100  }
0x24: {  	[sflag:s19] =	ssyncset.done $0x0  }
0x25: {  	[sflag:s19] =	ssyncadd.s32 $0xFFFFFF00  }
.LBB2_1:
0x26: {  	v0 =	vimm.s32 @p0 $0x0  }
0x27: {  	[tilespmem:$0x570] =	vst @p0 v0  }
0x28: {  	[tilespmem:$0x580] =	vst @p0 v0  }
0x29: {  	[tilespmem:$0x590] =	vst @p0 v0  }
0x2a: {  	[tilespmem:$0x5A0] =	vst @p0 v0  }
0x2b: {  	[tilespmem:$0x5B0] =	vst @p0 v0  }
0x2c: {  	[tilespmem:$0x5C0] =	vst @p0 v0  }
0x2d: {  	[tilespmem:$0x5D0] =	vst @p0 v0  }
0x2e: {  	[tilespmem:$0x5E0] =	vst @p0 v0  }
0x2f: {  	[tilespmem:$0x5F0] =	vst @p0 v0  }
0x30: {  	[tilespmem:$0x600] =	vst @p0 v0  }
0x31: {  	s21 =	simm.s32 @p0 $0x0;
	[tilespmem:$0x610] =	vst @p0 v0  }
0x32: {  	[tilespmem:s21], [sflag:$0x3] =	stream.linear.gather @p0 [hbm4b:s6+s21], $0x570, $0x38;
	[tilespmem:$0xE780] =	vst v63  }
0x33: {  	s21 =	simm.s32 @p0 $0x3  }
0x34: {  	_ =	swait.ge @p0 [sflag:s21], $0x570  }
0x35: {  	[sflag:s21] =	ssyncset.done @p0 $0x0  }
0x36: {  	[sflag:s21] =	ssyncadd.s32 @p0 $0xFFFFFA90;
	s21 =	simm.s32 @!p0 $0x0  }
0x37: {  	[tilespmem:s21], [sflag:$0x3] =	stream.linear.gather @!p0 [hbm4b:s5+s21], $0x620, $0x38;
	[tilespmem:$0xE780] =	vst v63  }
0x38: {  	s21 =	simm.s32 @!p0 $0x3  }
0x39: {  	_ =	swait.ge @!p0 [sflag:s21], $0x620  }
0x3a: {  	[sflag:s21] =	ssyncset.done @!p0 $0x0  }
0x3b: {  	[sflag:s21] =	ssyncadd.s32 @!p0 $0xFFFFF9E0  }
0x3c: {  	[tilespmem:s10], [sflag:$0x1] =	stream.indirect.gather [hbm4b:s1+s9], $0x80, s4, s9, $0xb8;
	[tilespmem:$0xE780] =	vst v63  }
0x3d: {  	v6 =	vimm.f32 $0.0e+00  }
0x3e: {  	v1 =	vimm.f32 $0.0e+00;
	v2 =	vimm.f32 $0.0e+00;
	v3 =	vimm.f32 $0.0e+00;
	[tilespmem:s11], [sflag:$0x1] =	stream.indirect.gather [hbm4b:s2+s9], $0x80, s4, s9, $0xb8;
	[tilespmem:$0xE780] =	vst v63  }
0x3f: {  	v4 =	vimm.f32 $0.0e+00;
	v15 =	vimm.f32 $0.0e+00;
	v14 =	vimm.f32 $0.0e+00  }
0x40: {  	v13 =	vimm.f32 $0.0e+00;
	v12 =	vimm.f32 $0.0e+00;
	v11 =	vimm.f32 $0.0e+00;
	[tilespmem:s12], [sflag:$0x2] =	stream.indirect.gather [hbm4b:s1+s9], $0x80, s9, s9, $0xb8;
	[tilespmem:$0xE780] =	vst v63  }
0x41: {  	v10 =	vimm.f32 $0.0e+00;
	v9 =	vimm.f32 $0.0e+00;
	v8 =	vimm.f32 $0.0e+00;
	s21 =	simm.s32 $0x0  }
0x42: {  	v7 =	vimm.f32 $0.0e+00;
	v16 =	vimm.f32 $0.0e+00;
	v0 =	vimm.f32 $0.0e+00;
	[tilespmem:s13], [sflag:$0x2] =	stream.indirect.gather [hbm4b:s2+s9], $0x80, s9, s9, $0xb8;
	[tilespmem:$0xE780] =	vst v63  }
.LBB2_2:
0x43: {  	_ =	swait.ge [sflag:s14], $0x3800  }
0x44: {  	[sflag:s14] =	ssyncset.done $0x0  }
0x45: {  	[sflag:s14] =	ssyncadd.s32 $0xFFFFC800  }
0x46: {  	_ =	swait.ge [sflag:s14], $0x3800  }
0x47: {  	[sflag:s14] =	ssyncset.done $0x0  }
0x48: {  	s24 =	simm.s32 $0x0;
	[sflag:s14] =	ssyncadd.s32 $0xFFFFC800  }
0x49: {  	v5 =	vld [tilespmem:s24+$0x76F0]  }
0x4a: {  	v17 =	vld [tilespmem:s24+$0x680]  }
0x4b: {  	v18 =	vld [tilespmem:s24+$0x690]  }
0x4c: {  	v19 =	vld [tilespmem:s24+$0x6A0]  }
0x4d: {  	v20 =	vld [tilespmem:s24+$0x6B0]  }
0x4e: {  	v21 =	vld [tilespmem:s24+$0x6C0]  }
0x4f: {  	v22 =	vld [tilespmem:s24+$0x6D0]  }
0x50: {  	v23 =	vld [tilespmem:s24+$0x6E0]  }
0x51: {  	v24 =	vld [tilespmem:s24+$0x6F0]  }
0x52: {  	v25 =	vld [tilespmem:s24+$0x7680]  }
0x53: {  	v26 =	vld [tilespmem:s24+$0x7690];
	v5 =	vadd.f32 v5, v6  }
0x54: {  	v6 =	vadd.f32 v17, v16;
	v7 =	vadd.f32 v18, v7;
	v16 =	vld [tilespmem:s24+$0x76A0]  }
0x55: {  	v8 =	vadd.f32 v19, v8;
	v9 =	vadd.f32 v20, v9;
	v17 =	vld [tilespmem:s24+$0x76B0]  }
0x56: {  	v10 =	vadd.f32 v21, v10;
	v11 =	vadd.f32 v22, v11;
	v18 =	vld [tilespmem:s24+$0x76C0]  }
0x57: {  	v12 =	vadd.f32 v23, v12;
	v13 =	vadd.f32 v24, v13;
	v19 =	vld [tilespmem:s24+$0x76D0]  }
0x58: {  	s22 =	simm.s32 $0x80;
	s23 =	simm.s32 $0x400;
	v14 =	vadd.f32 v25, v14;
	v15 =	vadd.f32 v26, v15;
	v20 =	vld [tilespmem:s24+$0x76E0]  }
.LBB2_3:
0x59: {  	p1 =	sne.s32 s23, $0xDE00;
	v21 =	vld [tilespmem:s22+$0x76F0];
	v4 =	vadd.f32 v16, v4  }
0x5a: {  	v16 =	vld [tilespmem:s22+$0x680];
	v3 =	vadd.f32 v17, v3  }
0x5b: {  	v17 =	vld [tilespmem:s22+$0x690];
	v2 =	vadd.f32 v18, v2  }
0x5c: {  	v18 =	vld [tilespmem:s22+$0x6A0];
	v1 =	vadd.f32 v19, v1  }
0x5d: {  	v19 =	vld [tilespmem:s22+$0x6B0];
	v0 =	vadd.f32 v20, v0  }
0x5e: {  	v20 =	vld [tilespmem:s22+$0x6C0];
	v5 =	vadd.f32 v21, v5  }
0x5f: {  	v6 =	vadd.f32 v16, v6;
	v16 =	vld [tilespmem:s22+$0x6D0]  }
0x60: {  	v7 =	vadd.f32 v17, v7;
	v17 =	vld [tilespmem:s22+$0x6E0]  }
0x61: {  	v8 =	vadd.f32 v18, v8;
	v18 =	vld [tilespmem:s22+$0x6F0]  }
0x62: {  	v9 =	vadd.f32 v19, v9;
	v19 =	vld [tilespmem:s22+$0x7680]  }
0x63: {  	v10 =	vadd.f32 v20, v10;
	v20 =	vld [tilespmem:s22+$0x7690]  }
.Ltmp2:
0x64: {  	v11 =	vadd.f32 v16, v11;
	v16 =	vld [tilespmem:s22+$0x76A0];
	(pc) =	sbr.rel @p1 .LBB2_3-.Ltmp2, $4  }
0x65: {  	v12 =	vadd.f32 v17, v12;
	v17 =	vld [tilespmem:s22+$0x76B0]  }
0x66: {  	v13 =	vadd.f32 v18, v13;
	v18 =	vld [tilespmem:s22+$0x76C0]  }
0x67: {  	v14 =	vadd.f32 v19, v14;
	v19 =	vld [tilespmem:s22+$0x76D0]  }
0x68: {  	v15 =	vadd.f32 v20, v15;
	v20 =	vld [tilespmem:s22+$0x76E0];
	s22 =	sshra.s32 s23, $0x2;
	s23 =	sadd.s32 $0x200, s23  }
0x69: {  	v21 =	vld [tilespmem:s22+$0x76F0]  }
0x6a: {  	v22 =	vld [tilespmem:s22+$0x680]  }
0x6b: {  	v23 =	vld [tilespmem:s22+$0x690]  }
0x6c: {  	v24 =	vld [tilespmem:s22+$0x6A0]  }
0x6d: {  	v25 =	vld [tilespmem:s22+$0x6B0]  }
0x6e: {  	v26 =	vld [tilespmem:s22+$0x6C0]  }
0x6f: {  	v27 =	vld [tilespmem:s22+$0x6D0]  }
0x70: {  	v28 =	vld [tilespmem:s22+$0x6E0]  }
0x71: {  	v29 =	vld [tilespmem:s22+$0x6F0]  }
0x72: {  	v30 =	vld [tilespmem:s22+$0x7680]  }
0x73: {  	v31 =	vld [tilespmem:s22+$0x7690]  }
0x74: {  	v32 =	vld [tilespmem:s22+$0x76A0];
	p1 =	seq.s32 s21, $0x6  }
0x75: {  	v33 =	vld [tilespmem:s22+$0x76B0];
	s23 =	smul.u32 @!p1 $0x380, s21  }
0x76: {  	v34 =	vld [tilespmem:s22+$0x76C0]  }
0x77: {  	v35 =	vld [tilespmem:s22+$0x76D0];
	s23 =	sshra.s32 @!p1 s23, $0x2  }
0x78: {  	v36 =	vld [tilespmem:s22+$0x76E0];
	s24 =	simm.s32 @!p1 $0x680;
	s22 =	sadd.s32 @!p1 $0xE0, s23;
	s23 =	simm.s32 @!p1 $0x70  }
0x79: {  	[tilespmem:s24], [sflag:$0x1] =	stream.indirect.gather @!p1 [hbm4b:s1+s23], $0x80, s22, s23, $0xb8;
	[tilespmem:$0xE780] =	vst v63  }
0x7a: {  	s24 =	simm.s32 @!p1 $0x7680  }
0x7b: {  	[tilespmem:s24], [sflag:$0x1] =	stream.indirect.gather @!p1 [hbm4b:s2+s23], $0x80, s22, s23, $0xb8;
	[tilespmem:$0xE780] =	vst v63  }
0x7c: {  	_ =	swait.ge [sflag:s15], $0x3800  }
0x7d: {  	[sflag:s15] =	ssyncset.done $0x0  }
0x7e: {  	[sflag:s15] =	ssyncadd.s32 $0xFFFFC800  }
0x7f: {  	_ =	swait.ge [sflag:s15], $0x3800  }
0x80: {  	[sflag:s15] =	ssyncset.done $0x0  }
0x81: {  	s31 =	simm.s32 $0x0;
	[sflag:s15] =	ssyncadd.s32 $0xFFFFC800  }
0x82: {  	v4 =	vadd.f32 v16, v4;
	v3 =	vadd.f32 v17, v3;
	v16 =	vld [tilespmem:s31+$0xAEF0]  }
0x83: {  	v2 =	vadd.f32 v18, v2;
	v1 =	vadd.f32 v19, v1;
	v17 =	vld [tilespmem:s31+$0x3E80]  }
0x84: {  	v18 =	vadd.f32 v20, v0;
	v5 =	vadd.f32 v21, v5;
	v19 =	vld [tilespmem:s31+$0x3E90]  }
0x85: {  	v20 =	vadd.f32 v22, v6;
	v21 =	vadd.f32 v23, v7;
	v22 =	vld [tilespmem:s31+$0x3EA0]  }
0x86: {  	v23 =	vadd.f32 v24, v8;
	v57 =	vadd.f32 v25, v9;
	v58 =	vld [tilespmem:s31+$0x3EB0]  }
0x87: {  	v26 =	vadd.f32 v26, v10;
	v27 =	vadd.f32 v27, v11;
	v11 =	vld [tilespmem:s31+$0x3EC0]  }
0x88: {  	v12 =	vadd.f32 v28, v12;
	v13 =	vadd.f32 v29, v13;
	v59 =	vld [tilespmem:s31+$0x3ED0]  }
0x89: {  	v14 =	vadd.f32 v30, v14;
	v15 =	vadd.f32 v31, v15;
	v60 =	vld [tilespmem:s31+$0x3EE0]  }
0x8a: {  	v6 =	vadd.f32 v32, v4;
	v0 =	vadd.f32 v33, v3;
	v61 =	vld [tilespmem:s31+$0x3EF0]  }
0x8b: {  	v7 =	vadd.f32 v34, v2;
	v1 =	vadd.f32 v35, v1;
	v62 =	vld [tilespmem:s31+$0xAE80]  }
0x8c: {  	v8 =	vadd.f32 v36, v18;
	v63 =	vld [tilespmem:s31+$0xAE90];
	v2 =	vadd.f32 v16, v5  }
0x8d: {  	v9 =	vadd.f32 v17, v20;
	v3 =	vadd.f32 v19, v21;
	v16 =	vld [tilespmem:s31+$0xAEA0]  }
0x8e: {  	v10 =	vadd.f32 v22, v23;
	v4 =	vadd.f32 v58, v57;
	v17 =	vld [tilespmem:s31+$0xAEB0]  }
0x8f: {  	v18 =	vld [tilespmem:s31+$0xAEC0];
	v11 =	vadd.f32 v11, v26;
	v5 =	vadd.f32 v59, v27  }
0x90: {  	v12 =	vadd.f32 v60, v12;
	v13 =	vadd.f32 v61, v13;
	v19 =	vld [tilespmem:s31+$0xAED0]  }
0x91: {  	s22 =	simm.s32 $0x80;
	s23 =	simm.s32 $0x400;
	v14 =	vadd.f32 v62, v14;
	v15 =	vadd.f32 v63, v15;
	v20 =	vld [tilespmem:s31+$0xAEE0]  }
.LBB2_5:
0x92: {  	p2 =	sne.s32 s23, $0xDE00;
	v21 =	vld [tilespmem:s22+$0xAEF0];
	v6 =	vadd.f32 v16, v6  }
0x93: {  	v16 =	vld [tilespmem:s22+$0x3E80];
	v0 =	vadd.f32 v17, v0  }
0x94: {  	v17 =	vld [tilespmem:s22+$0x3E90];
	v7 =	vadd.f32 v18, v7  }
0x95: {  	v18 =	vld [tilespmem:s22+$0x3EA0];
	v1 =	vadd.f32 v19, v1  }
0x96: {  	v19 =	vld [tilespmem:s22+$0x3EB0];
	v8 =	vadd.f32 v20, v8  }
0x97: {  	v20 =	vld [tilespmem:s22+$0x3EC0];
	v2 =	vadd.f32 v21, v2  }
0x98: {  	v9 =	vadd.f32 v16, v9;
	v16 =	vld [tilespmem:s22+$0x3ED0]  }
0x99: {  	v3 =	vadd.f32 v17, v3;
	v17 =	vld [tilespmem:s22+$0x3EE0]  }
0x9a: {  	v10 =	vadd.f32 v18, v10;
	v18 =	vld [tilespmem:s22+$0x3EF0]  }
0x9b: {  	v4 =	vadd.f32 v19, v4;
	v19 =	vld [tilespmem:s22+$0xAE80]  }
0x9c: {  	v11 =	vadd.f32 v20, v11;
	v20 =	vld [tilespmem:s22+$0xAE90]  }
.Ltmp3:
0x9d: {  	v5 =	vadd.f32 v16, v5;
	v16 =	vld [tilespmem:s22+$0xAEA0];
	(pc) =	sbr.rel @p2 .LBB2_5-.Ltmp3, $4  }
0x9e: {  	v12 =	vadd.f32 v17, v12;
	v17 =	vld [tilespmem:s22+$0xAEB0]  }
0x9f: {  	v13 =	vadd.f32 v18, v13;
	v18 =	vld [tilespmem:s22+$0xAEC0]  }
0xa0: {  	v14 =	vadd.f32 v19, v14;
	v19 =	vld [tilespmem:s22+$0xAED0]  }
0xa1: {  	v15 =	vadd.f32 v20, v15;
	v20 =	vld [tilespmem:s22+$0xAEE0];
	s22 =	sshra.s32 s23, $0x2;
	s23 =	sadd.s32 $0x200, s23  }
0xa2: {  	v21 =	vld [tilespmem:s22+$0xAEF0]  }
0xa3: {  	v22 =	vld [tilespmem:s22+$0x3E80]  }
0xa4: {  	v23 =	vld [tilespmem:s22+$0x3E90]  }
0xa5: {  	v24 =	vld [tilespmem:s22+$0x3EA0]  }
0xa6: {  	v25 =	vld [tilespmem:s22+$0x3EB0]  }
0xa7: {  	v26 =	vld [tilespmem:s22+$0x3EC0]  }
0xa8: {  	v27 =	vld [tilespmem:s22+$0x3ED0]  }
0xa9: {  	v28 =	vld [tilespmem:s22+$0x3EE0]  }
0xaa: {  	v29 =	vld [tilespmem:s22+$0x3EF0]  }
0xab: {  	v30 =	vld [tilespmem:s22+$0xAE80]  }
0xac: {  	v31 =	vadd.f32 v16, v6;
	v32 =	vld [tilespmem:s22+$0xAE90]  }
0xad: {  	v61 =	vld [tilespmem:s22+$0xAEB0];
	v0 =	vadd.f32 v17, v0;
	v17 =	vadd.f32 v18, v7  }
0xae: {  	v62 =	vld [tilespmem:s22+$0xAED0];
	v1 =	vadd.f32 v19, v1;
	v19 =	vadd.f32 v20, v8  }
0xaf: {  	v63 =	vld [tilespmem:s22+$0xAEE0];
	v6 =	vadd.f32 v21, v2;
	v16 =	vadd.f32 v22, v9  }
0xb0: {  	v18 =	vld [tilespmem:s22+$0xAEA0];
	v7 =	vadd.f32 v23, v3;
	v8 =	vadd.f32 v24, v10  }
0xb1: {  	v2 =	vld [tilespmem:s22+$0xAEC0];
	v9 =	vadd.f32 v25, v4;
	v10 =	vadd.f32 v26, v11  }
.Ltmp4:
0xb2: {  	v11 =	vadd.f32 v27, v5;
	v12 =	vadd.f32 v28, v12;
	(pc) =	sbr.rel @p1 .LBB2_8-.Ltmp4, $4  }
0xb3: {  	v13 =	vadd.f32 v29, v13;
	v14 =	vadd.f32 v30, v14  }
0xb4: {  	v15 =	vadd.f32 v32, v15;
	v3 =	vadd.f32 v61, v0  }
0xb5: {  	v1 =	vadd.f32 v62, v1;
	v4 =	vadd.f32 v18, v31  }
0xb6: {  	v0 =	vadd.f32 v63, v19;
	v2 =	vadd.f32 v2, v17  }
0xb7: {  	s22 =	smul.u32 $0x380, s21;
	_ =	sdelay $0x1  }
.Ltmp5:
0xb8: {  	s22 =	sshra.s32 s22, $0x2;
	(pc) =	sbr.rel .LBB2_2-.Ltmp5, $4  }
0xb9: {  	s22 =	sadd.s32 $0x150, s22  }
0xba: {  	[tilespmem:s12], [sflag:$0x2] =	stream.indirect.gather [hbm4b:s1+s9], $0x80, s22, s9, $0xb8;
	[tilespmem:$0xE780] =	vst v63  }
0xbb: {  	s21 =	sadd.s32 $0x1, s21  }
0xbc: {  	[tilespmem:s13], [sflag:$0x2] =	stream.indirect.gather [hbm4b:s2+s9], $0x80, s22, s9, $0xb8;
	[tilespmem:$0xE780] =	vst v63  }
.LBB2_9:
0xbd: {  	_ =	sfence.sel $0x180000  }
0xbe: {  	[bflag:$0x0] =	sbarrier.arrive $0xFFFF  }
0xbf: {  	p0 =	sne.s32 s3, $0x0;
	_ =	strace $0x90000047  }
0xc0: {  	s0 =	sadd.s32 @!p0 $0x100000, s0;
	[bflag:$0x2] =	sbarrier.arrive $0xFFFF  }
0xc1: {  	[sflag:s0] =	ssyncadd.tile.s32 @!p0 $0x1;
	_ =	shalt  }
.Lfunc_end2:
_tile_overlayer_lowered:
.L_overlay_start_2:
0xc2: {  	(tag) =	ssettag $0x2  }
0xc3: {  	s0 =	rddreg [dreg:$0x0];
	s2 =	stileid.u32  }
0xc4: {  	s1 =	rddreg [dreg:$0x1];
	p0 =	sne.s32 s2, $0x0  }
0xc5: {  	s3 =	rddreg [dreg:$0x2];
	[bflag:$0x3] =	sbarrier.arrive $0xFFFF;
	s2 =	simm.s32 @!p0 $0x1C03  }
0xc6: {  	[timem:s3], [sflag:s2] =	dma.local @!p0 [hbm:s0], s1  }
0xc7: {  	s0 =	simm.s32 @!p0 $0x3  }
0xc8: {  	_ =	swait.ge @!p0 [sflag:s0], s1  }
0xc9: {  	s1 =	ssub.s32 @!p0 $0x0, s1;
	[sflag:s0] =	ssyncset.done @!p0 $0x0  }
0xca: {  	[sflag:s0] =	ssyncadd.s32 @!p0 s1  }
0xcb: {  	[bflag:$0x3] =	sbarrier.arrive $0xFFFF  }
0xcc: {  	_ =	shalt  }

</sc_bundles>
